<compile_context>
chip_gen: v7x
topology: tpu7x:2x2x1
jax: 0.10.2.dev20260603
libtpu: 0.0.44.dev20260713+nightly
codegen_flags: <defaults>
</compile_context>

<pallas_src>
import functools

import jax
import jax.numpy as jnp
from jax import lax
from jax.experimental import pallas as pl
from jax.experimental.pallas import tpu as pltpu
from jax.experimental.pallas import tpu_sc as plsc

_N = 1024
_E = 32768
_TBL = 2 * _N
_D = 128
_NC = 2
_NS = 16
_NW = _NC * _NS
_EPW = 2 * _E // _NW
_CH = 128
_NCH = _EPW // _CH


def _pre_body(xb_ref, wext_ref, brow_ref, out_ref):
    dn = (((1,), (1,)), ((), ()))
    h = lax.dot_general(xb_ref[...], wext_ref[...], dn,
                        preferred_element_type=jnp.float32)
    out_ref[...] = h + brow_ref[...]


def _pre(xb, wext, brow):
    return pl.pallas_call(
        _pre_body,
        out_shape=jax.ShapeDtypeStruct((_TBL, _D), jnp.float32),
    )(xb, wext, brow)


def _sc_body(tbl_hbm, src_hbm, dst_hbm, z_hbm, out_hbm,
             idx_s, idx_d, rows, acc, sem):
    c = lax.axis_index("c")
    s = lax.axis_index("s")
    w = s * _NC + c
    rps = _TBL // _NS
    pltpu.sync_copy(z_hbm.at[pl.ds(s * rps, rps)], acc.at[pl.ds(s * rps, rps)])
    plsc.subcore_barrier()
    pltpu.sync_copy(src_hbm.at[pl.ds(w * _NCH, _NCH)], idx_s)
    pltpu.sync_copy(dst_hbm.at[pl.ds(w * _NCH, _NCH)], idx_d)
    for j in range(_NCH):
        pltpu.async_copy(tbl_hbm.at[idx_s.at[j]], rows, sem).wait()
        pltpu.sync_copy(rows, acc.at[idx_d.at[j]], add=True)
    plsc.subcore_barrier()
    pltpu.sync_copy(acc.at[pl.ds(s * rps, rps)],
                    out_hbm.at[c, pl.ds(s * rps, rps)])


@functools.lru_cache(maxsize=None)
def _get_sc_agg():
    return pl.kernel(
        _sc_body,
        out_type=jax.ShapeDtypeStruct((_NC, _TBL, _D), jnp.float32),
        mesh=plsc.VectorSubcoreMesh(core_axis_name="c", subcore_axis_name="s",
                                    num_cores=_NC, num_subcores=_NS),
        scratch_types=[
            pltpu.VMEM((_NCH, _CH), jnp.int32),
            pltpu.VMEM((_NCH, _CH), jnp.int32),
            pltpu.VMEM((_CH, _D), jnp.float32),
            pltpu.VMEM_SHARED((_TBL, _D), jnp.float32),
            pltpu.SemaphoreType.DMA,
        ],
    )


def _two_sum(a, b):
    s = a + b
    t = s - a
    e = (a - (s - t)) + (b - t)
    return s, e


def _head_body(parts_ref, wa1_ref, wa2_ref, batt_ref,
               wf1_ref, wf2_ref, bfc_ref, wfc2_ref, bfc2_ref,
               wfc3_ref, bfc3_ref, out_ref):
    f32 = jnp.float32
    dnT = (((1,), (1,)), ((), ()))
    nf = f32(_N)

    a = parts_ref[0] + parts_ref[1]
    col = lax.broadcasted_iota(jnp.int32, (_TBL, _D), 1)
    cnt = (col == 32).astype(f32)
    deg = jnp.sum(a * cnt, axis=1, keepdims=True)
    t = a / jnp.maximum(deg, 1.0)
    t1 = t[:_N]
    t2 = t[_N:]

    u = lax.dot_general(t1, wa1_ref[...], dnT, preferred_element_type=f32)
    v = lax.dot_general(t2, wa2_ref[...], dnT, preferred_element_type=f32)
    bb = batt_ref[0, 0]
    Su = jnp.sum(u)
    Sv = jnp.sum(v)
    T1 = jnp.sum(t1, axis=0, keepdims=True)
    T2 = jnp.sum(t2, axis=0, keepdims=True)
    Ut1 = jnp.sum(u * t1, axis=0, keepdims=True)
    Vt2 = jnp.sum(v * t2, axis=0, keepdims=True)

    def side(w_, S_other):
        sh, se = _two_sum(w_, bb)
        h2, e2 = _two_sum(nf * sh, S_other)
        lo = nf * se + e2
        rcp = 1.0 / h2
        r = rcp - (lo * rcp) * rcp
        A = jnp.sum(sh * r)
        B = jnp.sum(r)
        return A, B

    A1, B1 = side(u, Sv)
    A2, B2 = side(v, Su)
    g1 = (T1 + A1 * T2 + B1 * Vt2) * (1.0 / nf)
    g2 = (T2 + A2 * T1 + B2 * Ut1) * (1.0 / nf)

    H = (lax.dot_general(g1, wf1_ref[...], dnT, preferred_element_type=f32)
         + lax.dot_general(g2, wf2_ref[...], dnT, preferred_element_type=f32)
         + bfc_ref[...])
    H2 = lax.dot_general(H, wfc2_ref[...], dnT,
                         preferred_element_type=f32) + bfc2_ref[...]
    hb = H2.astype(jnp.bfloat16).astype(f32)
    wb = wfc3_ref[...].astype(jnp.bfloat16).astype(f32)
    out_ref[0, 0] = jnp.sum(hb * wb) + bfc3_ref[0, 0]


def _head(parts, wa1, wa2, batt, wf1, wf2, bfc, wfc2, bfc2, wfc3, bfc3):
    vmem = pl.BlockSpec(memory_space=pltpu.VMEM)
    smem = pl.BlockSpec(memory_space=pltpu.SMEM)
    return pl.pallas_call(
        _head_body,
        in_specs=[vmem, vmem, vmem, smem, vmem, vmem, vmem, vmem, vmem,
                  vmem, smem],
        out_specs=smem,
        out_shape=jax.ShapeDtypeStruct((1, 1), jnp.float32),
    )(parts, wa1, wa2, batt, wf1, wf2, bfc, wfc2, bfc2, wfc3, bfc3)


def kernel(x1, edge_index1, x2, edge_index2, W_init, b_init, W_att, b_att,
           W_fc, b_fc, W_fc2, b_fc2, W_fc3, b_fc3):
    f32 = jnp.float32
    xb = jnp.concatenate([x1, x2], axis=0)

    d_in = x1.shape[1]
    wext = jnp.zeros((_D, d_in), f32)
    wext = wext.at[:32, :].set(W_init)
    brow = jnp.zeros((1, _D), f32)
    brow = brow.at[0, :32].set(b_init)
    brow = brow.at[0, 32].set(1.0)

    tbl = _pre(xb, wext, brow)

    src = jnp.concatenate([edge_index1[0], edge_index2[0] + _N])
    dst = jnp.concatenate([edge_index1[1], edge_index2[1] + _N])
    src = src.reshape(_NW * _NCH, _CH).astype(jnp.int32)
    dst = dst.reshape(_NW * _NCH, _CH).astype(jnp.int32)
    z = jnp.zeros((_TBL, _D), f32)

    parts = _get_sc_agg()(tbl, src, dst, z)

    pad1 = jnp.zeros((1, _D - 32), f32)
    wa1 = jnp.concatenate([W_att[:, :32], pad1], axis=1)
    wa2 = jnp.concatenate([W_att[:, 32:], pad1], axis=1)
    batt = b_att.reshape(1, 1)
    padw = jnp.zeros((256, _D - 32), f32)
    wf1 = jnp.concatenate([W_fc[:, :32], padw], axis=1)
    wf2 = jnp.concatenate([W_fc[:, 32:], padw], axis=1)
    return _head(parts, wa1, wa2, batt, wf1, wf2, b_fc.reshape(1, 256),
                 W_fc2, b_fc2.reshape(1, 256), W_fc3, b_fc3.reshape(1, 1))

# --- scband reference (transcript-rebuilt; emitter-appended) ---
"""Pipeline reference for scband-model-40827959116310 (READ-ONLY COPY).

The authoritative reference and input builder live on the scoring server;
editing this copy changes nothing except your own understanding.
"""

import jax, jax.numpy as jnp
import numpy as np

N1 = 1024
N2 = 1024
E1 = 32768
E2 = 32768
D_IN = 60
D_H = 32


def setup_inputs(seed: int = 0) -> dict:
    key = jax.random.key(seed)
    ks = jax.random.split(key, 16)
    x1 = jax.random.normal(ks[0], (N1, D_IN), dtype=jnp.float32)
    x2 = jax.random.normal(ks[1], (N2, D_IN), dtype=jnp.float32)
    edge_index1 = jax.random.randint(ks[2], (2, E1), 0, N1, dtype=jnp.int32)
    edge_index2 = jax.random.randint(ks[3], (2, E2), 0, N2, dtype=jnp.int32)
    W_init = jax.random.normal(ks[4], (D_H, D_IN), dtype=jnp.float32) * 0.1
    b_init = jax.random.normal(ks[5], (D_H,), dtype=jnp.float32) * 0.1
    W_att = jax.random.normal(ks[6], (1, 2 * D_H), dtype=jnp.float32) * 0.1
    b_att = jax.random.normal(ks[7], (1,), dtype=jnp.float32) * 0.1
    W_fc = jax.random.normal(ks[8], (256, 2 * D_H), dtype=jnp.float32) * 0.1
    b_fc = jax.random.normal(ks[9], (256,), dtype=jnp.float32) * 0.1
    W_fc2 = jax.random.normal(ks[10], (256, 256), dtype=jnp.float32) * 0.1
    b_fc2 = jax.random.normal(ks[11], (256,), dtype=jnp.float32) * 0.1
    W_fc3 = jax.random.normal(ks[12], (1, 256), dtype=jnp.float32) * 0.1
    b_fc3 = jax.random.normal(ks[13], (1,), dtype=jnp.float32) * 0.1
    return {
        'x1': x1, 'edge_index1': edge_index1,
        'x2': x2, 'edge_index2': edge_index2,
        'W_init': W_init, 'b_init': b_init,
        'W_att': W_att, 'b_att': b_att,
        'W_fc': W_fc, 'b_fc': b_fc,
        'W_fc2': W_fc2, 'b_fc2': b_fc2,
        'W_fc3': W_fc3, 'b_fc3': b_fc3,
    }


def _mean_agg(h, edge_index, n):
    # DGL update_all(copy_u('h','m'), mean('m','h')):
    # h_new[dst] = mean over incoming edges (src->dst) of h[src]; 0 if no in-edges.
    src = edge_index[0]
    dst = edge_index[1]
    msg_sum = jax.ops.segment_sum(h[src], dst, num_segments=n)
    deg = jax.ops.segment_sum(jnp.ones((edge_index.shape[1],), dtype=h.dtype), dst, num_segments=n)
    return msg_sum / jnp.maximum(deg, 1.0)[:, None]


def reference(x1, edge_index1, x2, edge_index2, W_init, b_init, W_att, b_att, W_fc, b_fc, W_fc2, b_fc2, W_fc3, b_fc3):
    n1 = x1.shape[0]
    n2 = x2.shape[0]
    h0_g1 = x1 @ W_init.T + b_init
    h0_g2 = x2 @ W_init.T + b_init
    t1_g1 = _mean_agg(h0_g1, edge_index1, n1)
    t1_g2 = _mean_agg(h0_g2, edge_index2, n2)
    # pairwise cross-graph attention
    t1_g1_rep = jnp.repeat(t1_g1, n2, axis=0)          # torch: repeat(1, n2).view(-1, 32)
    t1_g2_rep = jnp.tile(t1_g2, (n1, 1))               # torch: repeat(n1, 1)
    cat = jnp.concatenate([t1_g1_rep, t1_g2_rep], axis=1)  # [n1*n2, 64]
    alpha = cat @ W_att.T + b_att                      # [n1*n2, 1]
    alpha_for_g1 = alpha.reshape(n1, n2)
    alpha_for_g1 = alpha_for_g1 / alpha_for_g1.sum(axis=1, keepdims=True)
    mu_g1 = (alpha_for_g1.reshape(-1, 1) * t1_g2_rep).reshape(n1, n2, -1).sum(axis=1)
    h1_g1 = t1_g1 + mu_g1
    alpha_for_g2 = alpha.reshape(n1, n2).T             # [n2, n1]
    alpha_for_g2 = alpha_for_g2 / alpha_for_g2.sum(axis=1, keepdims=True)
    t1_g1_rep_v2 = jnp.tile(t1_g1, (n2, 1))
    mu_g2 = (alpha_for_g2.reshape(-1, 1) * t1_g1_rep_v2).reshape(n2, n1, -1).sum(axis=1)
    h1_g2 = t1_g2 + mu_g2
    g1_emb = h1_g1.mean(axis=0, keepdims=True)         # dgl.mean_nodes, single graph
    g2_emb = h1_g2.mean(axis=0, keepdims=True)
    g_cat = jnp.concatenate([g1_emb, g2_emb], axis=1)
    H = g_cat @ W_fc.T + b_fc
    H2 = H @ W_fc2.T + b_fc2
    pred = H2 @ W_fc3.T + b_fc3
    return pred

if __name__ == "__main__":
    import jax
    _d = setup_inputs()
    print(jax.jit(kernel)(*tuple(_d.values())))

</pallas_src>

<mosaic_0001>
#map = affine_map<(d0, d1) -> (0, 0)>
#map1 = affine_map<(d0, d1) -> (0, 0, 0)>
module attributes {stable_mosaic.version = 14 : i64} {
  func.func @_sc_body(%arg0: i32, %arg1: i32, %arg2: memref<2048x128xf32, #tpu.memory_space<hbm>>, %arg3: memref<512x128xi32, #tpu.memory_space<hbm>>, %arg4: memref<512x128xi32, #tpu.memory_space<hbm>>, %arg5: memref<2048x128xf32, #tpu.memory_space<hbm>>, %arg6: memref<2x2048x128xf32, #tpu.memory_space<hbm>>, %arg7: memref<16x128xi32, #tpu.memory_space<vmem>>, %arg8: memref<16x128xi32, #tpu.memory_space<vmem>>, %arg9: memref<128x128xf32, #tpu.memory_space<vmem>>, %arg10: memref<2048x128xf32, #tpu.memory_space<vmem_shared>>, %arg11: memref<!tpu.dma_semaphore, #tpu.memory_space<semaphore_mem>>) attributes {dimension_semantics = [#tpu.dimension_semantics<core_parallel>, #tpu.dimension_semantics<subcore_parallel>], iteration_bounds = array<i64: 2, 16>, scalar_prefetch = 0 : i64, scratch_operands = 5 : i64, tpu.core_type = #tpu.core_type<sc_vector_subcore>, window_params = [{transform_indices = #map}, {transform_indices = #map}, {transform_indices = #map}, {transform_indices = #map}, {transform_indices = #map1}]} {
    %mul3A = arith.constant 2 : i32
    %mul3A_0 = arith.muli %arg1, %mul3A : i32
    %add3A = arith.addi %mul3A_0, %arg0 : i32
    %mul3A_1 = arith.constant 128 : i32
    %mul3A_2 = arith.muli %arg1, %mul3A_1 : i32
    %mul3A_3 = arith.constant 128 : i32
    %mul3A_4 = arith.muli %arg1, %mul3A_3 : i32
    "tpu.region"() ({
      %run_scoped3A_251 = tpu.sem_alloc : memref<!tpu.dma_semaphore, #tpu.memory_space<semaphore_mem>>
      %dma_start3A_252 = arith.constant 0 : i32
      %dma_start3A_253 = tpu.memref_slice %arg10[%mul3A_4, %dma_start3A_252] : memref<2048x128xf32, #tpu.memory_space<vmem_shared>> -> memref<128x128xf32, #tpu.memory_space<vmem_shared>>
      %dma_start3A_254 = arith.constant 0 : i32
      %dma_start3A_255 = tpu.memref_slice %arg5[%mul3A_2, %dma_start3A_254] : memref<2048x128xf32, #tpu.memory_space<hbm>> -> memref<128x128xf32, #tpu.memory_space<hbm>>
      tpu.enqueue_dma source(%dma_start3A_255 : memref<128x128xf32, #tpu.memory_space<hbm>>) target(%dma_start3A_253 : memref<128x128xf32, #tpu.memory_space<vmem_shared>>) target_semaphore(%run_scoped3A_251 : memref<!tpu.dma_semaphore, #tpu.memory_space<semaphore_mem>>)
      %dma_wait3A_256 = arith.constant 0 : i32
      %dma_wait3A_257 = tpu.memref_slice %arg10[%mul3A_4, %dma_wait3A_256] : memref<2048x128xf32, #tpu.memory_space<vmem_shared>> -> memref<128x128xf32, #tpu.memory_space<vmem_shared>>
      %dma_wait3A_258 = arith.constant 0 : i32
      %dma_wait3A_259 = tpu.memref_slice %arg5[%mul3A_2, %dma_wait3A_258] : memref<2048x128xf32, #tpu.memory_space<hbm>> -> memref<128x128xf32, #tpu.memory_space<hbm>>
      tpu.wait_dma2 semaphore(%run_scoped3A_251 : memref<!tpu.dma_semaphore, #tpu.memory_space<semaphore_mem>>) src(%dma_wait3A_259 : memref<128x128xf32, #tpu.memory_space<hbm>>) dst(%dma_wait3A_257 : memref<128x128xf32, #tpu.memory_space<vmem_shared>>)
      tpu.yield
    }) : () -> ()
    %barrier3A = arith.constant 0 : index
    tpu.barrier barrier_id(%barrier3A)
    %mul3A_5 = arith.constant 16 : i32
    %mul3A_6 = arith.muli %add3A, %mul3A_5 : i32
    "tpu.region"() ({
      %run_scoped3A_251 = tpu.sem_alloc : memref<!tpu.dma_semaphore, #tpu.memory_space<semaphore_mem>>
      %dma_start3A_252 = arith.constant 0 : i32
      %dma_start3A_253 = tpu.memref_slice %arg3[%mul3A_6, %dma_start3A_252] : memref<512x128xi32, #tpu.memory_space<hbm>> -> memref<16x128xi32, #tpu.memory_space<hbm>>
      %dma_start3A_254 = arith.constant 0 : i32
      %dma_start3A_255 = tpu.memref_slice %arg3[%mul3A_6, %dma_start3A_254] : memref<512x128xi32, #tpu.memory_space<hbm>> -> memref<16x128xi32, #tpu.memory_space<hbm>>
      tpu.enqueue_dma source(%dma_start3A_255 : memref<16x128xi32, #tpu.memory_space<hbm>>) target(%arg7 : memref<16x128xi32, #tpu.memory_space<vmem>>) target_semaphore(%run_scoped3A_251 : memref<!tpu.dma_semaphore, #tpu.memory_space<semaphore_mem>>)
      %dma_wait3A_256 = arith.constant 0 : i32
      %dma_wait3A_257 = tpu.memref_slice %arg3[%mul3A_6, %dma_wait3A_256] : memref<512x128xi32, #tpu.memory_space<hbm>> -> memref<16x128xi32, #tpu.memory_space<hbm>>
      %dma_wait3A_258 = arith.constant 0 : i32
      %dma_wait3A_259 = tpu.memref_slice %arg3[%mul3A_6, %dma_wait3A_258] : memref<512x128xi32, #tpu.memory_space<hbm>> -> memref<16x128xi32, #tpu.memory_space<hbm>>
      tpu.wait_dma2 semaphore(%run_scoped3A_251 : memref<!tpu.dma_semaphore, #tpu.memory_space<semaphore_mem>>) src(%dma_wait3A_259 : memref<16x128xi32, #tpu.memory_space<hbm>>) dst(%arg7 : memref<16x128xi32, #tpu.memory_space<vmem>>)
      tpu.yield
    }) : () -> ()
    %mul3A_7 = arith.constant 16 : i32
    %mul3A_8 = arith.muli %add3A, %mul3A_7 : i32
    "tpu.region"() ({
      %run_scoped3A_251 = tpu.sem_alloc : memref<!tpu.dma_semaphore, #tpu.memory_space<semaphore_mem>>
      %dma_start3A_252 = arith.constant 0 : i32
      %dma_start3A_253 = tpu.memref_slice %arg4[%mul3A_8, %dma_start3A_252] : memref<512x128xi32, #tpu.memory_space<hbm>> -> memref<16x128xi32, #tpu.memory_space<hbm>>
      %dma_start3A_254 = arith.constant 0 : i32
      %dma_start3A_255 = tpu.memref_slice %arg4[%mul3A_8, %dma_start3A_254] : memref<512x128xi32, #tpu.memory_space<hbm>> -> memref<16x128xi32, #tpu.memory_space<hbm>>
      tpu.enqueue_dma source(%dma_start3A_255 : memref<16x128xi32, #tpu.memory_space<hbm>>) target(%arg8 : memref<16x128xi32, #tpu.memory_space<vmem>>) target_semaphore(%run_scoped3A_251 : memref<!tpu.dma_semaphore, #tpu.memory_space<semaphore_mem>>)
      %dma_wait3A_256 = arith.constant 0 : i32
      %dma_wait3A_257 = tpu.memref_slice %arg4[%mul3A_8, %dma_wait3A_256] : memref<512x128xi32, #tpu.memory_space<hbm>> -> memref<16x128xi32, #tpu.memory_space<hbm>>
      %dma_wait3A_258 = arith.constant 0 : i32
      %dma_wait3A_259 = tpu.memref_slice %arg4[%mul3A_8, %dma_wait3A_258] : memref<512x128xi32, #tpu.memory_space<hbm>> -> memref<16x128xi32, #tpu.memory_space<hbm>>
      tpu.wait_dma2 semaphore(%run_scoped3A_251 : memref<!tpu.dma_semaphore, #tpu.memory_space<semaphore_mem>>) src(%dma_wait3A_259 : memref<16x128xi32, #tpu.memory_space<hbm>>) dst(%arg8 : memref<16x128xi32, #tpu.memory_space<vmem>>)
      tpu.yield
    }) : () -> ()
    %dma_start3A = arith.constant 0 : i32
    %dma_start3A_9 = arith.constant 0 : i32
    %dma_start3A_10 = tpu.memref_slice %arg7[%dma_start3A, %dma_start3A_9] : memref<16x128xi32, #tpu.memory_space<vmem>> -> memref<1x128xi32, #tpu.memory_space<vmem>>
    %dma_start3A_11 = tpu.memref_squeeze %dma_start3A_10 : memref<1x128xi32, #tpu.memory_space<vmem>> -> memref<128xi32, #tpu.memory_space<vmem>>
    %dma_start3A_12 = arith.constant 0 : i32
    %dma_start3A_13 = arith.constant 0 : i32
    %dma_start3A_14 = tpu.memref_slice %arg2[%dma_start3A_12, %dma_start3A_13] : memref<2048x128xf32, #tpu.memory_space<hbm>> -> memref<2048x128xf32, #tpu.memory_space<hbm>>
    tpu.enqueue_indirect_dma source(%dma_start3A_14 : memref<2048x128xf32, #tpu.memory_space<hbm>>) target(%arg9 : memref<128x128xf32, #tpu.memory_space<vmem>>) offsets(%dma_start3A_11 : memref<128xi32, #tpu.memory_space<vmem>>) semaphore(%arg11 : memref<!tpu.dma_semaphore, #tpu.memory_space<semaphore_mem>>)
    %dma_wait3A = arith.constant 0 : i32
    %dma_wait3A_15 = arith.constant 0 : i32
    %dma_wait3A_16 = tpu.memref_slice %arg7[%dma_wait3A, %dma_wait3A_15] : memref<16x128xi32, #tpu.memory_space<vmem>> -> memref<1x128xi32, #tpu.memory_space<vmem>>
    %dma_wait3A_17 = tpu.memref_squeeze %dma_wait3A_16 : memref<1x128xi32, #tpu.memory_space<vmem>> -> memref<128xi32, #tpu.memory_space<vmem>>
    %dma_wait3A_18 = arith.constant 0 : i32
    %dma_wait3A_19 = arith.constant 0 : i32
    %dma_wait3A_20 = tpu.memref_slice %arg2[%dma_wait3A_18, %dma_wait3A_19] : memref<2048x128xf32, #tpu.memory_space<hbm>> -> memref<2048x128xf32, #tpu.memory_space<hbm>>
    tpu.wait_indirect_dma semaphore(%arg11 : memref<!tpu.dma_semaphore, #tpu.memory_space<semaphore_mem>>) src(%dma_wait3A_20 : memref<2048x128xf32, #tpu.memory_space<hbm>>) dst(%arg9 : memref<128x128xf32, #tpu.memory_space<vmem>>)
    %run_scoped3A = arith.constant 0 : i32
    "tpu.region"() ({
      %run_scoped3A_251 = tpu.sem_alloc : memref<!tpu.dma_semaphore, #tpu.memory_space<semaphore_mem>>
      %dma_start3A_252 = arith.constant 0 : i32
      %dma_start3A_253 = tpu.memref_slice %arg8[%run_scoped3A, %dma_start3A_252] : memref<16x128xi32, #tpu.memory_space<vmem>> -> memref<1x128xi32, #tpu.memory_space<vmem>>
      %dma_start3A_254 = tpu.memref_squeeze %dma_start3A_253 : memref<1x128xi32, #tpu.memory_space<vmem>> -> memref<128xi32, #tpu.memory_space<vmem>>
      %dma_start3A_255 = arith.constant 0 : i32
      %dma_start3A_256 = arith.constant 0 : i32
      %dma_start3A_257 = tpu.memref_slice %arg10[%dma_start3A_255, %dma_start3A_256] : memref<2048x128xf32, #tpu.memory_space<vmem_shared>> -> memref<2048x128xf32, #tpu.memory_space<vmem_shared>>
      tpu.enqueue_indirect_dma source(%arg9 : memref<128x128xf32, #tpu.memory_space<vmem>>) target(%dma_start3A_257 : memref<2048x128xf32, #tpu.memory_space<vmem_shared>>) offsets(%dma_start3A_254 : memref<128xi32, #tpu.memory_space<vmem>>) semaphore(%run_scoped3A_251 : memref<!tpu.dma_semaphore, #tpu.memory_space<semaphore_mem>>) {add = true}
      %dma_wait3A_258 = arith.constant 0 : i32
      %dma_wait3A_259 = tpu.memref_slice %arg8[%run_scoped3A, %dma_wait3A_258] : memref<16x128xi32, #tpu.memory_space<vmem>> -> memref<1x128xi32, #tpu.memory_space<vmem>>
      %dma_wait3A_260 = tpu.memref_squeeze %dma_wait3A_259 : memref<1x128xi32, #tpu.memory_space<vmem>> -> memref<128xi32, #tpu.memory_space<vmem>>
      %dma_wait3A_261 = arith.constant 0 : i32
      %dma_wait3A_262 = arith.constant 0 : i32
      %dma_wait3A_263 = tpu.memref_slice %arg10[%dma_wait3A_261, %dma_wait3A_262] : memref<2048x128xf32, #tpu.memory_space<vmem_shared>> -> memref<2048x128xf32, #tpu.memory_space<vmem_shared>>
      tpu.wait_indirect_dma semaphore(%run_scoped3A_251 : memref<!tpu.dma_semaphore, #tpu.memory_space<semaphore_mem>>) src(%arg9 : memref<128x128xf32, #tpu.memory_space<vmem>>) dst(%dma_wait3A_263 : memref<2048x128xf32, #tpu.memory_space<vmem_shared>>)
      tpu.yield
    }) : () -> ()
    %dma_start3A_21 = arith.constant 1 : i32
    %dma_start3A_22 = arith.constant 0 : i32
    %dma_start3A_23 = tpu.memref_slice %arg7[%dma_start3A_21, %dma_start3A_22] : memref<16x128xi32, #tpu.memory_space<vmem>> -> memref<1x128xi32, #tpu.memory_space<vmem>>
    %dma_start3A_24 = tpu.memref_squeeze %dma_start3A_23 : memref<1x128xi32, #tpu.memory_space<vmem>> -> memref<128xi32, #tpu.memory_space<vmem>>
    %dma_start3A_25 = arith.constant 0 : i32
    %dma_start3A_26 = arith.constant 0 : i32
    %dma_start3A_27 = tpu.memref_slice %arg2[%dma_start3A_25, %dma_start3A_26] : memref<2048x128xf32, #tpu.memory_space<hbm>> -> memref<2048x128xf32, #tpu.memory_space<hbm>>
    tpu.enqueue_indirect_dma source(%dma_start3A_27 : memref<2048x128xf32, #tpu.memory_space<hbm>>) target(%arg9 : memref<128x128xf32, #tpu.memory_space<vmem>>) offsets(%dma_start3A_24 : memref<128xi32, #tpu.memory_space<vmem>>) semaphore(%arg11 : memref<!tpu.dma_semaphore, #tpu.memory_space<semaphore_mem>>)
    %dma_wait3A_28 = arith.constant 1 : i32
    %dma_wait3A_29 = arith.constant 0 : i32
    %dma_wait3A_30 = tpu.memref_slice %arg7[%dma_wait3A_28, %dma_wait3A_29] : memref<16x128xi32, #tpu.memory_space<vmem>> -> memref<1x128xi32, #tpu.memory_space<vmem>>
    %dma_wait3A_31 = tpu.memref_squeeze %dma_wait3A_30 : memref<1x128xi32, #tpu.memory_space<vmem>> -> memref<128xi32, #tpu.memory_space<vmem>>
    %dma_wait3A_32 = arith.constant 0 : i32
    %dma_wait3A_33 = arith.constant 0 : i32
    %dma_wait3A_34 = tpu.memref_slice %arg2[%dma_wait3A_32, %dma_wait3A_33] : memref<2048x128xf32, #tpu.memory_space<hbm>> -> memref<2048x128xf32, #tpu.memory_space<hbm>>
    tpu.wait_indirect_dma semaphore(%arg11 : memref<!tpu.dma_semaphore, #tpu.memory_space<semaphore_mem>>) src(%dma_wait3A_34 : memref<2048x128xf32, #tpu.memory_space<hbm>>) dst(%arg9 : memref<128x128xf32, #tpu.memory_space<vmem>>)
    %run_scoped3A_35 = arith.constant 1 : i32
    "tpu.region"() ({
      %run_scoped3A_251 = tpu.sem_alloc : memref<!tpu.dma_semaphore, #tpu.memory_space<semaphore_mem>>
      %dma_start3A_252 = arith.constant 0 : i32
      %dma_start3A_253 = tpu.memref_slice %arg8[%run_scoped3A_35, %dma_start3A_252] : memref<16x128xi32, #tpu.memory_space<vmem>> -> memref<1x128xi32, #tpu.memory_space<vmem>>
      %dma_start3A_254 = tpu.memref_squeeze %dma_start3A_253 : memref<1x128xi32, #tpu.memory_space<vmem>> -> memref<128xi32, #tpu.memory_space<vmem>>
      %dma_start3A_255 = arith.constant 0 : i32
      %dma_start3A_256 = arith.constant 0 : i32
      %dma_start3A_257 = tpu.memref_slice %arg10[%dma_start3A_255, %dma_start3A_256] : memref<2048x128xf32, #tpu.memory_space<vmem_shared>> -> memref<2048x128xf32, #tpu.memory_space<vmem_shared>>
      tpu.enqueue_indirect_dma source(%arg9 : memref<128x128xf32, #tpu.memory_space<vmem>>) target(%dma_start3A_257 : memref<2048x128xf32, #tpu.memory_space<vmem_shared>>) offsets(%dma_start3A_254 : memref<128xi32, #tpu.memory_space<vmem>>) semaphore(%run_scoped3A_251 : memref<!tpu.dma_semaphore, #tpu.memory_space<semaphore_mem>>) {add = true}
      %dma_wait3A_258 = arith.constant 0 : i32
      %dma_wait3A_259 = tpu.memref_slice %arg8[%run_scoped3A_35, %dma_wait3A_258] : memref<16x128xi32, #tpu.memory_space<vmem>> -> memref<1x128xi32, #tpu.memory_space<vmem>>
      %dma_wait3A_260 = tpu.memref_squeeze %dma_wait3A_259 : memref<1x128xi32, #tpu.memory_space<vmem>> -> memref<128xi32, #tpu.memory_space<vmem>>
      %dma_wait3A_261 = arith.constant 0 : i32
      %dma_wait3A_262 = arith.constant 0 : i32
      %dma_wait3A_263 = tpu.memref_slice %arg10[%dma_wait3A_261, %dma_wait3A_262] : memref<2048x128xf32, #tpu.memory_space<vmem_shared>> -> memref<2048x128xf32, #tpu.memory_space<vmem_shared>>
      tpu.wait_indirect_dma semaphore(%run_scoped3A_251 : memref<!tpu.dma_semaphore, #tpu.memory_space<semaphore_mem>>) src(%arg9 : memref<128x128xf32, #tpu.memory_space<vmem>>) dst(%dma_wait3A_263 : memref<2048x128xf32, #tpu.memory_space<vmem_shared>>)
      tpu.yield
    }) : () -> ()
    %dma_start3A_36 = arith.constant 2 : i32
    %dma_start3A_37 = arith.constant 0 : i32
    %dma_start3A_38 = tpu.memref_slice %arg7[%dma_start3A_36, %dma_start3A_37] : memref<16x128xi32, #tpu.memory_space<vmem>> -> memref<1x128xi32, #tpu.memory_space<vmem>>
    %dma_start3A_39 = tpu.memref_squeeze %dma_start3A_38 : memref<1x128xi32, #tpu.memory_space<vmem>> -> memref<128xi32, #tpu.memory_space<vmem>>
    %dma_start3A_40 = arith.constant 0 : i32
    %dma_start3A_41 = arith.constant 0 : i32
    %dma_start3A_42 = tpu.memref_slice %arg2[%dma_start3A_40, %dma_start3A_41] : memref<2048x128xf32, #tpu.memory_space<hbm>> -> memref<2048x128xf32, #tpu.memory_space<hbm>>
    tpu.enqueue_indirect_dma source(%dma_start3A_42 : memref<2048x128xf32, #tpu.memory_space<hbm>>) target(%arg9 : memref<128x128xf32, #tpu.memory_space<vmem>>) offsets(%dma_start3A_39 : memref<128xi32, #tpu.memory_space<vmem>>) semaphore(%arg11 : memref<!tpu.dma_semaphore, #tpu.memory_space<semaphore_mem>>)
    %dma_wait3A_43 = arith.constant 2 : i32
    %dma_wait3A_44 = arith.constant 0 : i32
    %dma_wait3A_45 = tpu.memref_slice %arg7[%dma_wait3A_43, %dma_wait3A_44] : memref<16x128xi32, #tpu.memory_space<vmem>> -> memref<1x128xi32, #tpu.memory_space<vmem>>
    %dma_wait3A_46 = tpu.memref_squeeze %dma_wait3A_45 : memref<1x128xi32, #tpu.memory_space<vmem>> -> memref<128xi32, #tpu.memory_space<vmem>>
    %dma_wait3A_47 = arith.constant 0 : i32
    %dma_wait3A_48 = arith.constant 0 : i32
    %dma_wait3A_49 = tpu.memref_slice %arg2[%dma_wait3A_47, %dma_wait3A_48] : memref<2048x128xf32, #tpu.memory_space<hbm>> -> memref<2048x128xf32, #tpu.memory_space<hbm>>
    tpu.wait_indirect_dma semaphore(%arg11 : memref<!tpu.dma_semaphore, #tpu.memory_space<semaphore_mem>>) src(%dma_wait3A_49 : memref<2048x128xf32, #tpu.memory_space<hbm>>) dst(%arg9 : memref<128x128xf32, #tpu.memory_space<vmem>>)
    %run_scoped3A_50 = arith.constant 2 : i32
    "tpu.region"() ({
      %run_scoped3A_251 = tpu.sem_alloc : memref<!tpu.dma_semaphore, #tpu.memory_space<semaphore_mem>>
      %dma_start3A_252 = arith.constant 0 : i32
      %dma_start3A_253 = tpu.memref_slice %arg8[%run_scoped3A_50, %dma_start3A_252] : memref<16x128xi32, #tpu.memory_space<vmem>> -> memref<1x128xi32, #tpu.memory_space<vmem>>
      %dma_start3A_254 = tpu.memref_squeeze %dma_start3A_253 : memref<1x128xi32, #tpu.memory_space<vmem>> -> memref<128xi32, #tpu.memory_space<vmem>>
      %dma_start3A_255 = arith.constant 0 : i32
      %dma_start3A_256 = arith.constant 0 : i32
      %dma_start3A_257 = tpu.memref_slice %arg10[%dma_start3A_255, %dma_start3A_256] : memref<2048x128xf32, #tpu.memory_space<vmem_shared>> -> memref<2048x128xf32, #tpu.memory_space<vmem_shared>>
      tpu.enqueue_indirect_dma source(%arg9 : memref<128x128xf32, #tpu.memory_space<vmem>>) target(%dma_start3A_257 : memref<2048x128xf32, #tpu.memory_space<vmem_shared>>) offsets(%dma_start3A_254 : memref<128xi32, #tpu.memory_space<vmem>>) semaphore(%run_scoped3A_251 : memref<!tpu.dma_semaphore, #tpu.memory_space<semaphore_mem>>) {add = true}
      %dma_wait3A_258 = arith.constant 0 : i32
      %dma_wait3A_259 = tpu.memref_slice %arg8[%run_scoped3A_50, %dma_wait3A_258] : memref<16x128xi32, #tpu.memory_space<vmem>> -> memref<1x128xi32, #tpu.memory_space<vmem>>
      %dma_wait3A_260 = tpu.memref_squeeze %dma_wait3A_259 : memref<1x128xi32, #tpu.memory_space<vmem>> -> memref<128xi32, #tpu.memory_space<vmem>>
      %dma_wait3A_261 = arith.constant 0 : i32
      %dma_wait3A_262 = arith.constant 0 : i32
      %dma_wait3A_263 = tpu.memref_slice %arg10[%dma_wait3A_261, %dma_wait3A_262] : memref<2048x128xf32, #tpu.memory_space<vmem_shared>> -> memref<2048x128xf32, #tpu.memory_space<vmem_shared>>
      tpu.wait_indirect_dma semaphore(%run_scoped3A_251 : memref<!tpu.dma_semaphore, #tpu.memory_space<semaphore_mem>>) src(%arg9 : memref<128x128xf32, #tpu.memory_space<vmem>>) dst(%dma_wait3A_263 : memref<2048x128xf32, #tpu.memory_space<vmem_shared>>)
      tpu.yield
    }) : () -> ()
    %dma_start3A_51 = arith.constant 3 : i32
    %dma_start3A_52 = arith.constant 0 : i32
    %dma_start3A_53 = tpu.memref_slice %arg7[%dma_start3A_51, %dma_start3A_52] : memref<16x128xi32, #tpu.memory_space<vmem>> -> memref<1x128xi32, #tpu.memory_space<vmem>>
    %dma_start3A_54 = tpu.memref_squeeze %dma_start3A_53 : memref<1x128xi32, #tpu.memory_space<vmem>> -> memref<128xi32, #tpu.memory_space<vmem>>
    %dma_start3A_55 = arith.constant 0 : i32
    %dma_start3A_56 = arith.constant 0 : i32
    %dma_start3A_57 = tpu.memref_slice %arg2[%dma_start3A_55, %dma_start3A_56] : memref<2048x128xf32, #tpu.memory_space<hbm>> -> memref<2048x128xf32, #tpu.memory_space<hbm>>
    tpu.enqueue_indirect_dma source(%dma_start3A_57 : memref<2048x128xf32, #tpu.memory_space<hbm>>) target(%arg9 : memref<128x128xf32, #tpu.memory_space<vmem>>) offsets(%dma_start3A_54 : memref<128xi32, #tpu.memory_space<vmem>>) semaphore(%arg11 : memref<!tpu.dma_semaphore, #tpu.memory_space<semaphore_mem>>)
    %dma_wait3A_58 = arith.constant 3 : i32
    %dma_wait3A_59 = arith.constant 0 : i32
    %dma_wait3A_60 = tpu.memref_slice %arg7[%dma_wait3A_58, %dma_wait3A_59] : memref<16x128xi32, #tpu.memory_space<vmem>> -> memref<1x128xi32, #tpu.memory_space<vmem>>
    %dma_wait3A_61 = tpu.memref_squeeze %dma_wait3A_60 : memref<1x128xi32, #tpu.memory_space<vmem>> -> memref<128xi32, #tpu.memory_space<vmem>>
    %dma_wait3A_62 = arith.constant 0 : i32
    %dma_wait3A_63 = arith.constant 0 : i32
    %dma_wait3A_64 = tpu.memref_slice %arg2[%dma_wait3A_62, %dma_wait3A_63] : memref<2048x128xf32, #tpu.memory_space<hbm>> -> memref<2048x128xf32, #tpu.memory_space<hbm>>
    tpu.wait_indirect_dma semaphore(%arg11 : memref<!tpu.dma_semaphore, #tpu.memory_space<semaphore_mem>>) src(%dma_wait3A_64 : memref<2048x128xf32, #tpu.memory_space<hbm>>) dst(%arg9 : memref<128x128xf32, #tpu.memory_space<vmem>>)
    %run_scoped3A_65 = arith.constant 3 : i32
    "tpu.region"() ({
      %run_scoped3A_251 = tpu.sem_alloc : memref<!tpu.dma_semaphore, #tpu.memory_space<semaphore_mem>>
      %dma_start3A_252 = arith.constant 0 : i32
      %dma_start3A_253 = tpu.memref_slice %arg8[%run_scoped3A_65, %dma_start3A_252] : memref<16x128xi32, #tpu.memory_space<vmem>> -> memref<1x128xi32, #tpu.memory_space<vmem>>
      %dma_start3A_254 = tpu.memref_squeeze %dma_start3A_253 : memref<1x128xi32, #tpu.memory_space<vmem>> -> memref<128xi32, #tpu.memory_space<vmem>>
      %dma_start3A_255 = arith.constant 0 : i32
      %dma_start3A_256 = arith.constant 0 : i32
      %dma_start3A_257 = tpu.memref_slice %arg10[%dma_start3A_255, %dma_start3A_256] : memref<2048x128xf32, #tpu.memory_space<vmem_shared>> -> memref<2048x128xf32, #tpu.memory_space<vmem_shared>>
      tpu.enqueue_indirect_dma source(%arg9 : memref<128x128xf32, #tpu.memory_space<vmem>>) target(%dma_start3A_257 : memref<2048x128xf32, #tpu.memory_space<vmem_shared>>) offsets(%dma_start3A_254 : memref<128xi32, #tpu.memory_space<vmem>>) semaphore(%run_scoped3A_251 : memref<!tpu.dma_semaphore, #tpu.memory_space<semaphore_mem>>) {add = true}
      %dma_wait3A_258 = arith.constant 0 : i32
      %dma_wait3A_259 = tpu.memref_slice %arg8[%run_scoped3A_65, %dma_wait3A_258] : memref<16x128xi32, #tpu.memory_space<vmem>> -> memref<1x128xi32, #tpu.memory_space<vmem>>
      %dma_wait3A_260 = tpu.memref_squeeze %dma_wait3A_259 : memref<1x128xi32, #tpu.memory_space<vmem>> -> memref<128xi32, #tpu.memory_space<vmem>>
      %dma_wait3A_261 = arith.constant 0 : i32
      %dma_wait3A_262 = arith.constant 0 : i32
      %dma_wait3A_263 = tpu.memref_slice %arg10[%dma_wait3A_261, %dma_wait3A_262] : memref<2048x128xf32, #tpu.memory_space<vmem_shared>> -> memref<2048x128xf32, #tpu.memory_space<vmem_shared>>
      tpu.wait_indirect_dma semaphore(%run_scoped3A_251 : memref<!tpu.dma_semaphore, #tpu.memory_space<semaphore_mem>>) src(%arg9 : memref<128x128xf32, #tpu.memory_space<vmem>>) dst(%dma_wait3A_263 : memref<2048x128xf32, #tpu.memory_space<vmem_shared>>)
      tpu.yield
    }) : () -> ()
    %dma_start3A_66 = arith.constant 4 : i32
    %dma_start3A_67 = arith.constant 0 : i32
    %dma_start3A_68 = tpu.memref_slice %arg7[%dma_start3A_66, %dma_start3A_67] : memref<16x128xi32, #tpu.memory_space<vmem>> -> memref<1x128xi32, #tpu.memory_space<vmem>>
    %dma_start3A_69 = tpu.memref_squeeze %dma_start3A_68 : memref<1x128xi32, #tpu.memory_space<vmem>> -> memref<128xi32, #tpu.memory_space<vmem>>
    %dma_start3A_70 = arith.constant 0 : i32
    %dma_start3A_71 = arith.constant 0 : i32
    %dma_start3A_72 = tpu.memref_slice %arg2[%dma_start3A_70, %dma_start3A_71] : memref<2048x128xf32, #tpu.memory_space<hbm>> -> memref<2048x128xf32, #tpu.memory_space<hbm>>
    tpu.enqueue_indirect_dma source(%dma_start3A_72 : memref<2048x128xf32, #tpu.memory_space<hbm>>) target(%arg9 : memref<128x128xf32, #tpu.memory_space<vmem>>) offsets(%dma_start3A_69 : memref<128xi32, #tpu.memory_space<vmem>>) semaphore(%arg11 : memref<!tpu.dma_semaphore, #tpu.memory_space<semaphore_mem>>)
    %dma_wait3A_73 = arith.constant 4 : i32
    %dma_wait3A_74 = arith.constant 0 : i32
    %dma_wait3A_75 = tpu.memref_slice %arg7[%dma_wait3A_73, %dma_wait3A_74] : memref<16x128xi32, #tpu.memory_space<vmem>> -> memref<1x128xi32, #tpu.memory_space<vmem>>
    %dma_wait3A_76 = tpu.memref_squeeze %dma_wait3A_75 : memref<1x128xi32, #tpu.memory_space<vmem>> -> memref<128xi32, #tpu.memory_space<vmem>>
    %dma_wait3A_77 = arith.constant 0 : i32
    %dma_wait3A_78 = arith.constant 0 : i32
    %dma_wait3A_79 = tpu.memref_slice %arg2[%dma_wait3A_77, %dma_wait3A_78] : memref<2048x128xf32, #tpu.memory_space<hbm>> -> memref<2048x128xf32, #tpu.memory_space<hbm>>
    tpu.wait_indirect_dma semaphore(%arg11 : memref<!tpu.dma_semaphore, #tpu.memory_space<semaphore_mem>>) src(%dma_wait3A_79 : memref<2048x128xf32, #tpu.memory_space<hbm>>) dst(%arg9 : memref<128x128xf32, #tpu.memory_space<vmem>>)
    %run_scoped3A_80 = arith.constant 4 : i32
    "tpu.region"() ({
      %run_scoped3A_251 = tpu.sem_alloc : memref<!tpu.dma_semaphore, #tpu.memory_space<semaphore_mem>>
      %dma_start3A_252 = arith.constant 0 : i32
      %dma_start3A_253 = tpu.memref_slice %arg8[%run_scoped3A_80, %dma_start3A_252] : memref<16x128xi32, #tpu.memory_space<vmem>> -> memref<1x128xi32, #tpu.memory_space<vmem>>
      %dma_start3A_254 = tpu.memref_squeeze %dma_start3A_253 : memref<1x128xi32, #tpu.memory_space<vmem>> -> memref<128xi32, #tpu.memory_space<vmem>>
      %dma_start3A_255 = arith.constant 0 : i32
      %dma_start3A_256 = arith.constant 0 : i32
      %dma_start3A_257 = tpu.memref_slice %arg10[%dma_start3A_255, %dma_start3A_256] : memref<2048x128xf32, #tpu.memory_space<vmem_shared>> -> memref<2048x128xf32, #tpu.memory_space<vmem_shared>>
      tpu.enqueue_indirect_dma source(%arg9 : memref<128x128xf32, #tpu.memory_space<vmem>>) target(%dma_start3A_257 : memref<2048x128xf32, #tpu.memory_space<vmem_shared>>) offsets(%dma_start3A_254 : memref<128xi32, #tpu.memory_space<vmem>>) semaphore(%run_scoped3A_251 : memref<!tpu.dma_semaphore, #tpu.memory_space<semaphore_mem>>) {add = true}
      %dma_wait3A_258 = arith.constant 0 : i32
      %dma_wait3A_259 = tpu.memref_slice %arg8[%run_scoped3A_80, %dma_wait3A_258] : memref<16x128xi32, #tpu.memory_space<vmem>> -> memref<1x128xi32, #tpu.memory_space<vmem>>
      %dma_wait3A_260 = tpu.memref_squeeze %dma_wait3A_259 : memref<1x128xi32, #tpu.memory_space<vmem>> -> memref<128xi32, #tpu.memory_space<vmem>>
      %dma_wait3A_261 = arith.constant 0 : i32
      %dma_wait3A_262 = arith.constant 0 : i32
      %dma_wait3A_263 = tpu.memref_slice %arg10[%dma_wait3A_261, %dma_wait3A_262] : memref<2048x128xf32, #tpu.memory_space<vmem_shared>> -> memref<2048x128xf32, #tpu.memory_space<vmem_shared>>
      tpu.wait_indirect_dma semaphore(%run_scoped3A_251 : memref<!tpu.dma_semaphore, #tpu.memory_space<semaphore_mem>>) src(%arg9 : memref<128x128xf32, #tpu.memory_space<vmem>>) dst(%dma_wait3A_263 : memref<2048x128xf32, #tpu.memory_space<vmem_shared>>)
      tpu.yield
    }) : () -> ()
    %dma_start3A_81 = arith.constant 5 : i32
    %dma_start3A_82 = arith.constant 0 : i32
    %dma_start3A_83 = tpu.memref_slice %arg7[%dma_start3A_81, %dma_start3A_82] : memref<16x128xi32, #tpu.memory_space<vmem>> -> memref<1x128xi32, #tpu.memory_space<vmem>>
    %dma_start3A_84 = tpu.memref_squeeze %dma_start3A_83 : memref<1x128xi32, #tpu.memory_space<vmem>> -> memref<128xi32, #tpu.memory_space<vmem>>
    %dma_start3A_85 = arith.constant 0 : i32
    %dma_start3A_86 = arith.constant 0 : i32
    %dma_start3A_87 = tpu.memref_slice %arg2[%dma_start3A_85, %dma_start3A_86] : memref<2048x128xf32, #tpu.memory_space<hbm>> -> memref<2048x128xf32, #tpu.memory_space<hbm>>
    tpu.enqueue_indirect_dma source(%dma_start3A_87 : memref<2048x128xf32, #tpu.memory_space<hbm>>) target(%arg9 : memref<128x128xf32, #tpu.memory_space<vmem>>) offsets(%dma_start3A_84 : memref<128xi32, #tpu.memory_space<vmem>>) semaphore(%arg11 : memref<!tpu.dma_semaphore, #tpu.memory_space<semaphore_mem>>)
    %dma_wait3A_88 = arith.constant 5 : i32
    %dma_wait3A_89 = arith.constant 0 : i32
    %dma_wait3A_90 = tpu.memref_slice %arg7[%dma_wait3A_88, %dma_wait3A_89] : memref<16x128xi32, #tpu.memory_space<vmem>> -> memref<1x128xi32, #tpu.memory_space<vmem>>
    %dma_wait3A_91 = tpu.memref_squeeze %dma_wait3A_90 : memref<1x128xi32, #tpu.memory_space<vmem>> -> memref<128xi32, #tpu.memory_space<vmem>>
    %dma_wait3A_92 = arith.constant 0 : i32
    %dma_wait3A_93 = arith.constant 0 : i32
    %dma_wait3A_94 = tpu.memref_slice %arg2[%dma_wait3A_92, %dma_wait3A_93] : memref<2048x128xf32, #tpu.memory_space<hbm>> -> memref<2048x128xf32, #tpu.memory_space<hbm>>
    tpu.wait_indirect_dma semaphore(%arg11 : memref<!tpu.dma_semaphore, #tpu.memory_space<semaphore_mem>>) src(%dma_wait3A_94 : memref<2048x128xf32, #tpu.memory_space<hbm>>) dst(%arg9 : memref<128x128xf32, #tpu.memory_space<vmem>>)
    %run_scoped3A_95 = arith.constant 5 : i32
    "tpu.region"() ({
      %run_scoped3A_251 = tpu.sem_alloc : memref<!tpu.dma_semaphore, #tpu.memory_space<semaphore_mem>>
      %dma_start3A_252 = arith.constant 0 : i32
      %dma_start3A_253 = tpu.memref_slice %arg8[%run_scoped3A_95, %dma_start3A_252] : memref<16x128xi32, #tpu.memory_space<vmem>> -> memref<1x128xi32, #tpu.memory_space<vmem>>
      %dma_start3A_254 = tpu.memref_squeeze %dma_start3A_253 : memref<1x128xi32, #tpu.memory_space<vmem>> -> memref<128xi32, #tpu.memory_space<vmem>>
      %dma_start3A_255 = arith.constant 0 : i32
      %dma_start3A_256 = arith.constant 0 : i32
      %dma_start3A_257 = tpu.memref_slice %arg10[%dma_start3A_255, %dma_start3A_256] : memref<2048x128xf32, #tpu.memory_space<vmem_shared>> -> memref<2048x128xf32, #tpu.memory_space<vmem_shared>>
      tpu.enqueue_indirect_dma source(%arg9 : memref<128x128xf32, #tpu.memory_space<vmem>>) target(%dma_start3A_257 : memref<2048x128xf32, #tpu.memory_space<vmem_shared>>) offsets(%dma_start3A_254 : memref<128xi32, #tpu.memory_space<vmem>>) semaphore(%run_scoped3A_251 : memref<!tpu.dma_semaphore, #tpu.memory_space<semaphore_mem>>) {add = true}
      %dma_wait3A_258 = arith.constant 0 : i32
      %dma_wait3A_259 = tpu.memref_slice %arg8[%run_scoped3A_95, %dma_wait3A_258] : memref<16x128xi32, #tpu.memory_space<vmem>> -> memref<1x128xi32, #tpu.memory_space<vmem>>
      %dma_wait3A_260 = tpu.memref_squeeze %dma_wait3A_259 : memref<1x128xi32, #tpu.memory_space<vmem>> -> memref<128xi32, #tpu.memory_space<vmem>>
      %dma_wait3A_261 = arith.constant 0 : i32
      %dma_wait3A_262 = arith.constant 0 : i32
      %dma_wait3A_263 = tpu.memref_slice %arg10[%dma_wait3A_261, %dma_wait3A_262] : memref<2048x128xf32, #tpu.memory_space<vmem_shared>> -> memref<2048x128xf32, #tpu.memory_space<vmem_shared>>
      tpu.wait_indirect_dma semaphore(%run_scoped3A_251 : memref<!tpu.dma_semaphore, #tpu.memory_space<semaphore_mem>>) src(%arg9 : memref<128x128xf32, #tpu.memory_space<vmem>>) dst(%dma_wait3A_263 : memref<2048x128xf32, #tpu.memory_space<vmem_shared>>)
      tpu.yield
    }) : () -> ()
    %dma_start3A_96 = arith.constant 6 : i32
    %dma_start3A_97 = arith.constant 0 : i32
    %dma_start3A_98 = tpu.memref_slice %arg7[%dma_start3A_96, %dma_start3A_97] : memref<16x128xi32, #tpu.memory_space<vmem>> -> memref<1x128xi32, #tpu.memory_space<vmem>>
    %dma_start3A_99 = tpu.memref_squeeze %dma_start3A_98 : memref<1x128xi32, #tpu.memory_space<vmem>> -> memref<128xi32, #tpu.memory_space<vmem>>
    %dma_start3A_100 = arith.constant 0 : i32
    %dma_start3A_101 = arith.constant 0 : i32
    %dma_start3A_102 = tpu.memref_slice %arg2[%dma_start3A_100, %dma_start3A_101] : memref<2048x128xf32, #tpu.memory_space<hbm>> -> memref<2048x128xf32, #tpu.memory_space<hbm>>
    tpu.enqueue_indirect_dma source(%dma_start3A_102 : memref<2048x128xf32, #tpu.memory_space<hbm>>) target(%arg9 : memref<128x128xf32, #tpu.memory_space<vmem>>) offsets(%dma_start3A_99 : memref<128xi32, #tpu.memory_space<vmem>>) semaphore(%arg11 : memref<!tpu.dma_semaphore, #tpu.memory_space<semaphore_mem>>)
    %dma_wait3A_103 = arith.constant 6 : i32
    %dma_wait3A_104 = arith.constant 0 : i32
    %dma_wait3A_105 = tpu.memref_slice %arg7[%dma_wait3A_103, %dma_wait3A_104] : memref<16x128xi32, #tpu.memory_space<vmem>> -> memref<1x128xi32, #tpu.memory_space<vmem>>
    %dma_wait3A_106 = tpu.memref_squeeze %dma_wait3A_105 : memref<1x128xi32, #tpu.memory_space<vmem>> -> memref<128xi32, #tpu.memory_space<vmem>>
    %dma_wait3A_107 = arith.constant 0 : i32
    %dma_wait3A_108 = arith.constant 0 : i32
    %dma_wait3A_109 = tpu.memref_slice %arg2[%dma_wait3A_107, %dma_wait3A_108] : memref<2048x128xf32, #tpu.memory_space<hbm>> -> memref<2048x128xf32, #tpu.memory_space<hbm>>
    tpu.wait_indirect_dma semaphore(%arg11 : memref<!tpu.dma_semaphore, #tpu.memory_space<semaphore_mem>>) src(%dma_wait3A_109 : memref<2048x128xf32, #tpu.memory_space<hbm>>) dst(%arg9 : memref<128x128xf32, #tpu.memory_space<vmem>>)
    %run_scoped3A_110 = arith.constant 6 : i32
    "tpu.region"() ({
      %run_scoped3A_251 = tpu.sem_alloc : memref<!tpu.dma_semaphore, #tpu.memory_space<semaphore_mem>>
      %dma_start3A_252 = arith.constant 0 : i32
      %dma_start3A_253 = tpu.memref_slice %arg8[%run_scoped3A_110, %dma_start3A_252] : memref<16x128xi32, #tpu.memory_space<vmem>> -> memref<1x128xi32, #tpu.memory_space<vmem>>
      %dma_start3A_254 = tpu.memref_squeeze %dma_start3A_253 : memref<1x128xi32, #tpu.memory_space<vmem>> -> memref<128xi32, #tpu.memory_space<vmem>>
      %dma_start3A_255 = arith.constant 0 : i32
      %dma_start3A_256 = arith.constant 0 : i32
      %dma_start3A_257 = tpu.memref_slice %arg10[%dma_start3A_255, %dma_start3A_256] : memref<2048x128xf32, #tpu.memory_space<vmem_shared>> -> memref<2048x128xf32, #tpu.memory_space<vmem_shared>>
      tpu.enqueue_indirect_dma source(%arg9 : memref<128x128xf32, #tpu.memory_space<vmem>>) target(%dma_start3A_257 : memref<2048x128xf32, #tpu.memory_space<vmem_shared>>) offsets(%dma_start3A_254 : memref<128xi32, #tpu.memory_space<vmem>>) semaphore(%run_scoped3A_251 : memref<!tpu.dma_semaphore, #tpu.memory_space<semaphore_mem>>) {add = true}
      %dma_wait3A_258 = arith.constant 0 : i32
      %dma_wait3A_259 = tpu.memref_slice %arg8[%run_scoped3A_110, %dma_wait3A_258] : memref<16x128xi32, #tpu.memory_space<vmem>> -> memref<1x128xi32, #tpu.memory_space<vmem>>
      %dma_wait3A_260 = tpu.memref_squeeze %dma_wait3A_259 : memref<1x128xi32, #tpu.memory_space<vmem>> -> memref<128xi32, #tpu.memory_space<vmem>>
      %dma_wait3A_261 = arith.constant 0 : i32
      %dma_wait3A_262 = arith.constant 0 : i32
      %dma_wait3A_263 = tpu.memref_slice %arg10[%dma_wait3A_261, %dma_wait3A_262] : memref<2048x128xf32, #tpu.memory_space<vmem_shared>> -> memref<2048x128xf32, #tpu.memory_space<vmem_shared>>
      tpu.wait_indirect_dma semaphore(%run_scoped3A_251 : memref<!tpu.dma_semaphore, #tpu.memory_space<semaphore_mem>>) src(%arg9 : memref<128x128xf32, #tpu.memory_space<vmem>>) dst(%dma_wait3A_263 : memref<2048x128xf32, #tpu.memory_space<vmem_shared>>)
      tpu.yield
    }) : () -> ()
    %dma_start3A_111 = arith.constant 7 : i32
    %dma_start3A_112 = arith.constant 0 : i32
    %dma_start3A_113 = tpu.memref_slice %arg7[%dma_start3A_111, %dma_start3A_112] : memref<16x128xi32, #tpu.memory_space<vmem>> -> memref<1x128xi32, #tpu.memory_space<vmem>>
    %dma_start3A_114 = tpu.memref_squeeze %dma_start3A_113 : memref<1x128xi32, #tpu.memory_space<vmem>> -> memref<128xi32, #tpu.memory_space<vmem>>
    %dma_start3A_115 = arith.constant 0 : i32
    %dma_start3A_116 = arith.constant 0 : i32
    %dma_start3A_117 = tpu.memref_slice %arg2[%dma_start3A_115, %dma_start3A_116] : memref<2048x128xf32, #tpu.memory_space<hbm>> -> memref<2048x128xf32, #tpu.memory_space<hbm>>
    tpu.enqueue_indirect_dma source(%dma_start3A_117 : memref<2048x128xf32, #tpu.memory_space<hbm>>) target(%arg9 : memref<128x128xf32, #tpu.memory_space<vmem>>) offsets(%dma_start3A_114 : memref<128xi32, #tpu.memory_space<vmem>>) semaphore(%arg11 : memref<!tpu.dma_semaphore, #tpu.memory_space<semaphore_mem>>)
    %dma_wait3A_118 = arith.constant 7 : i32
    %dma_wait3A_119 = arith.constant 0 : i32
    %dma_wait3A_120 = tpu.memref_slice %arg7[%dma_wait3A_118, %dma_wait3A_119] : memref<16x128xi32, #tpu.memory_space<vmem>> -> memref<1x128xi32, #tpu.memory_space<vmem>>
    %dma_wait3A_121 = tpu.memref_squeeze %dma_wait3A_120 : memref<1x128xi32, #tpu.memory_space<vmem>> -> memref<128xi32, #tpu.memory_space<vmem>>
    %dma_wait3A_122 = arith.constant 0 : i32
    %dma_wait3A_123 = arith.constant 0 : i32
    %dma_wait3A_124 = tpu.memref_slice %arg2[%dma_wait3A_122, %dma_wait3A_123] : memref<2048x128xf32, #tpu.memory_space<hbm>> -> memref<2048x128xf32, #tpu.memory_space<hbm>>
    tpu.wait_indirect_dma semaphore(%arg11 : memref<!tpu.dma_semaphore, #tpu.memory_space<semaphore_mem>>) src(%dma_wait3A_124 : memref<2048x128xf32, #tpu.memory_space<hbm>>) dst(%arg9 : memref<128x128xf32, #tpu.memory_space<vmem>>)
    %run_scoped3A_125 = arith.constant 7 : i32
    "tpu.region"() ({
      %run_scoped3A_251 = tpu.sem_alloc : memref<!tpu.dma_semaphore, #tpu.memory_space<semaphore_mem>>
      %dma_start3A_252 = arith.constant 0 : i32
      %dma_start3A_253 = tpu.memref_slice %arg8[%run_scoped3A_125, %dma_start3A_252] : memref<16x128xi32, #tpu.memory_space<vmem>> -> memref<1x128xi32, #tpu.memory_space<vmem>>
      %dma_start3A_254 = tpu.memref_squeeze %dma_start3A_253 : memref<1x128xi32, #tpu.memory_space<vmem>> -> memref<128xi32, #tpu.memory_space<vmem>>
      %dma_start3A_255 = arith.constant 0 : i32
      %dma_start3A_256 = arith.constant 0 : i32
      %dma_start3A_257 = tpu.memref_slice %arg10[%dma_start3A_255, %dma_start3A_256] : memref<2048x128xf32, #tpu.memory_space<vmem_shared>> -> memref<2048x128xf32, #tpu.memory_space<vmem_shared>>
      tpu.enqueue_indirect_dma source(%arg9 : memref<128x128xf32, #tpu.memory_space<vmem>>) target(%dma_start3A_257 : memref<2048x128xf32, #tpu.memory_space<vmem_shared>>) offsets(%dma_start3A_254 : memref<128xi32, #tpu.memory_space<vmem>>) semaphore(%run_scoped3A_251 : memref<!tpu.dma_semaphore, #tpu.memory_space<semaphore_mem>>) {add = true}
      %dma_wait3A_258 = arith.constant 0 : i32
      %dma_wait3A_259 = tpu.memref_slice %arg8[%run_scoped3A_125, %dma_wait3A_258] : memref<16x128xi32, #tpu.memory_space<vmem>> -> memref<1x128xi32, #tpu.memory_space<vmem>>
      %dma_wait3A_260 = tpu.memref_squeeze %dma_wait3A_259 : memref<1x128xi32, #tpu.memory_space<vmem>> -> memref<128xi32, #tpu.memory_space<vmem>>
      %dma_wait3A_261 = arith.constant 0 : i32
      %dma_wait3A_262 = arith.constant 0 : i32
      %dma_wait3A_263 = tpu.memref_slice %arg10[%dma_wait3A_261, %dma_wait3A_262] : memref<2048x128xf32, #tpu.memory_space<vmem_shared>> -> memref<2048x128xf32, #tpu.memory_space<vmem_shared>>
      tpu.wait_indirect_dma semaphore(%run_scoped3A_251 : memref<!tpu.dma_semaphore, #tpu.memory_space<semaphore_mem>>) src(%arg9 : memref<128x128xf32, #tpu.memory_space<vmem>>) dst(%dma_wait3A_263 : memref<2048x128xf32, #tpu.memory_space<vmem_shared>>)
      tpu.yield
    }) : () -> ()
    %dma_start3A_126 = arith.constant 8 : i32
    %dma_start3A_127 = arith.constant 0 : i32
    %dma_start3A_128 = tpu.memref_slice %arg7[%dma_start3A_126, %dma_start3A_127] : memref<16x128xi32, #tpu.memory_space<vmem>> -> memref<1x128xi32, #tpu.memory_space<vmem>>
    %dma_start3A_129 = tpu.memref_squeeze %dma_start3A_128 : memref<1x128xi32, #tpu.memory_space<vmem>> -> memref<128xi32, #tpu.memory_space<vmem>>
    %dma_start3A_130 = arith.constant 0 : i32
    %dma_start3A_131 = arith.constant 0 : i32
    %dma_start3A_132 = tpu.memref_slice %arg2[%dma_start3A_130, %dma_start3A_131] : memref<2048x128xf32, #tpu.memory_space<hbm>> -> memref<2048x128xf32, #tpu.memory_space<hbm>>
    tpu.enqueue_indirect_dma source(%dma_start3A_132 : memref<2048x128xf32, #tpu.memory_space<hbm>>) target(%arg9 : memref<128x128xf32, #tpu.memory_space<vmem>>) offsets(%dma_start3A_129 : memref<128xi32, #tpu.memory_space<vmem>>) semaphore(%arg11 : memref<!tpu.dma_semaphore, #tpu.memory_space<semaphore_mem>>)
    %dma_wait3A_133 = arith.constant 8 : i32
    %dma_wait3A_134 = arith.constant 0 : i32
    %dma_wait3A_135 = tpu.memref_slice %arg7[%dma_wait3A_133, %dma_wait3A_134] : memref<16x128xi32, #tpu.memory_space<vmem>> -> memref<1x128xi32, #tpu.memory_space<vmem>>
    %dma_wait3A_136 = tpu.memref_squeeze %dma_wait3A_135 : memref<1x128xi32, #tpu.memory_space<vmem>> -> memref<128xi32, #tpu.memory_space<vmem>>
    %dma_wait3A_137 = arith.constant 0 : i32
    %dma_wait3A_138 = arith.constant 0 : i32
    %dma_wait3A_139 = tpu.memref_slice %arg2[%dma_wait3A_137, %dma_wait3A_138] : memref<2048x128xf32, #tpu.memory_space<hbm>> -> memref<2048x128xf32, #tpu.memory_space<hbm>>
    tpu.wait_indirect_dma semaphore(%arg11 : memref<!tpu.dma_semaphore, #tpu.memory_space<semaphore_mem>>) src(%dma_wait3A_139 : memref<2048x128xf32, #tpu.memory_space<hbm>>) dst(%arg9 : memref<128x128xf32, #tpu.memory_space<vmem>>)
    %run_scoped3A_140 = arith.constant 8 : i32
    "tpu.region"() ({
      %run_scoped3A_251 = tpu.sem_alloc : memref<!tpu.dma_semaphore, #tpu.memory_space<semaphore_mem>>
      %dma_start3A_252 = arith.constant 0 : i32
      %dma_start3A_253 = tpu.memref_slice %arg8[%run_scoped3A_140, %dma_start3A_252] : memref<16x128xi32, #tpu.memory_space<vmem>> -> memref<1x128xi32, #tpu.memory_space<vmem>>
      %dma_start3A_254 = tpu.memref_squeeze %dma_start3A_253 : memref<1x128xi32, #tpu.memory_space<vmem>> -> memref<128xi32, #tpu.memory_space<vmem>>
      %dma_start3A_255 = arith.constant 0 : i32
      %dma_start3A_256 = arith.constant 0 : i32
      %dma_start3A_257 = tpu.memref_slice %arg10[%dma_start3A_255, %dma_start3A_256] : memref<2048x128xf32, #tpu.memory_space<vmem_shared>> -> memref<2048x128xf32, #tpu.memory_space<vmem_shared>>
      tpu.enqueue_indirect_dma source(%arg9 : memref<128x128xf32, #tpu.memory_space<vmem>>) target(%dma_start3A_257 : memref<2048x128xf32, #tpu.memory_space<vmem_shared>>) offsets(%dma_start3A_254 : memref<128xi32, #tpu.memory_space<vmem>>) semaphore(%run_scoped3A_251 : memref<!tpu.dma_semaphore, #tpu.memory_space<semaphore_mem>>) {add = true}
      %dma_wait3A_258 = arith.constant 0 : i32
      %dma_wait3A_259 = tpu.memref_slice %arg8[%run_scoped3A_140, %dma_wait3A_258] : memref<16x128xi32, #tpu.memory_space<vmem>> -> memref<1x128xi32, #tpu.memory_space<vmem>>
      %dma_wait3A_260 = tpu.memref_squeeze %dma_wait3A_259 : memref<1x128xi32, #tpu.memory_space<vmem>> -> memref<128xi32, #tpu.memory_space<vmem>>
      %dma_wait3A_261 = arith.constant 0 : i32
      %dma_wait3A_262 = arith.constant 0 : i32
      %dma_wait3A_263 = tpu.memref_slice %arg10[%dma_wait3A_261, %dma_wait3A_262] : memref<2048x128xf32, #tpu.memory_space<vmem_shared>> -> memref<2048x128xf32, #tpu.memory_space<vmem_shared>>
      tpu.wait_indirect_dma semaphore(%run_scoped3A_251 : memref<!tpu.dma_semaphore, #tpu.memory_space<semaphore_mem>>) src(%arg9 : memref<128x128xf32, #tpu.memory_space<vmem>>) dst(%dma_wait3A_263 : memref<2048x128xf32, #tpu.memory_space<vmem_shared>>)
      tpu.yield
    }) : () -> ()
    %dma_start3A_141 = arith.constant 9 : i32
    %dma_start3A_142 = arith.constant 0 : i32
    %dma_start3A_143 = tpu.memref_slice %arg7[%dma_start3A_141, %dma_start3A_142] : memref<16x128xi32, #tpu.memory_space<vmem>> -> memref<1x128xi32, #tpu.memory_space<vmem>>
    %dma_start3A_144 = tpu.memref_squeeze %dma_start3A_143 : memref<1x128xi32, #tpu.memory_space<vmem>> -> memref<128xi32, #tpu.memory_space<vmem>>
    %dma_start3A_145 = arith.constant 0 : i32
    %dma_start3A_146 = arith.constant 0 : i32
    %dma_start3A_147 = tpu.memref_slice %arg2[%dma_start3A_145, %dma_start3A_146] : memref<2048x128xf32, #tpu.memory_space<hbm>> -> memref<2048x128xf32, #tpu.memory_space<hbm>>
    tpu.enqueue_indirect_dma source(%dma_start3A_147 : memref<2048x128xf32, #tpu.memory_space<hbm>>) target(%arg9 : memref<128x128xf32, #tpu.memory_space<vmem>>) offsets(%dma_start3A_144 : memref<128xi32, #tpu.memory_space<vmem>>) semaphore(%arg11 : memref<!tpu.dma_semaphore, #tpu.memory_space<semaphore_mem>>)
    %dma_wait3A_148 = arith.constant 9 : i32
    %dma_wait3A_149 = arith.constant 0 : i32
    %dma_wait3A_150 = tpu.memref_slice %arg7[%dma_wait3A_148, %dma_wait3A_149] : memref<16x128xi32, #tpu.memory_space<vmem>> -> memref<1x128xi32, #tpu.memory_space<vmem>>
    %dma_wait3A_151 = tpu.memref_squeeze %dma_wait3A_150 : memref<1x128xi32, #tpu.memory_space<vmem>> -> memref<128xi32, #tpu.memory_space<vmem>>
    %dma_wait3A_152 = arith.constant 0 : i32
    %dma_wait3A_153 = arith.constant 0 : i32
    %dma_wait3A_154 = tpu.memref_slice %arg2[%dma_wait3A_152, %dma_wait3A_153] : memref<2048x128xf32, #tpu.memory_space<hbm>> -> memref<2048x128xf32, #tpu.memory_space<hbm>>
    tpu.wait_indirect_dma semaphore(%arg11 : memref<!tpu.dma_semaphore, #tpu.memory_space<semaphore_mem>>) src(%dma_wait3A_154 : memref<2048x128xf32, #tpu.memory_space<hbm>>) dst(%arg9 : memref<128x128xf32, #tpu.memory_space<vmem>>)
    %run_scoped3A_155 = arith.constant 9 : i32
    "tpu.region"() ({
      %run_scoped3A_251 = tpu.sem_alloc : memref<!tpu.dma_semaphore, #tpu.memory_space<semaphore_mem>>
      %dma_start3A_252 = arith.constant 0 : i32
      %dma_start3A_253 = tpu.memref_slice %arg8[%run_scoped3A_155, %dma_start3A_252] : memref<16x128xi32, #tpu.memory_space<vmem>> -> memref<1x128xi32, #tpu.memory_space<vmem>>
      %dma_start3A_254 = tpu.memref_squeeze %dma_start3A_253 : memref<1x128xi32, #tpu.memory_space<vmem>> -> memref<128xi32, #tpu.memory_space<vmem>>
      %dma_start3A_255 = arith.constant 0 : i32
      %dma_start3A_256 = arith.constant 0 : i32
      %dma_start3A_257 = tpu.memref_slice %arg10[%dma_start3A_255, %dma_start3A_256] : memref<2048x128xf32, #tpu.memory_space<vmem_shared>> -> memref<2048x128xf32, #tpu.memory_space<vmem_shared>>
      tpu.enqueue_indirect_dma source(%arg9 : memref<128x128xf32, #tpu.memory_space<vmem>>) target(%dma_start3A_257 : memref<2048x128xf32, #tpu.memory_space<vmem_shared>>) offsets(%dma_start3A_254 : memref<128xi32, #tpu.memory_space<vmem>>) semaphore(%run_scoped3A_251 : memref<!tpu.dma_semaphore, #tpu.memory_space<semaphore_mem>>) {add = true}
      %dma_wait3A_258 = arith.constant 0 : i32
      %dma_wait3A_259 = tpu.memref_slice %arg8[%run_scoped3A_155, %dma_wait3A_258] : memref<16x128xi32, #tpu.memory_space<vmem>> -> memref<1x128xi32, #tpu.memory_space<vmem>>
      %dma_wait3A_260 = tpu.memref_squeeze %dma_wait3A_259 : memref<1x128xi32, #tpu.memory_space<vmem>> -> memref<128xi32, #tpu.memory_space<vmem>>
      %dma_wait3A_261 = arith.constant 0 : i32
      %dma_wait3A_262 = arith.constant 0 : i32
      %dma_wait3A_263 = tpu.memref_slice %arg10[%dma_wait3A_261, %dma_wait3A_262] : memref<2048x128xf32, #tpu.memory_space<vmem_shared>> -> memref<2048x128xf32, #tpu.memory_space<vmem_shared>>
      tpu.wait_indirect_dma semaphore(%run_scoped3A_251 : memref<!tpu.dma_semaphore, #tpu.memory_space<semaphore_mem>>) src(%arg9 : memref<128x128xf32, #tpu.memory_space<vmem>>) dst(%dma_wait3A_263 : memref<2048x128xf32, #tpu.memory_space<vmem_shared>>)
      tpu.yield
    }) : () -> ()
    %dma_start3A_156 = arith.constant 10 : i32
    %dma_start3A_157 = arith.constant 0 : i32
    %dma_start3A_158 = tpu.memref_slice %arg7[%dma_start3A_156, %dma_start3A_157] : memref<16x128xi32, #tpu.memory_space<vmem>> -> memref<1x128xi32, #tpu.memory_space<vmem>>
    %dma_start3A_159 = tpu.memref_squeeze %dma_start3A_158 : memref<1x128xi32, #tpu.memory_space<vmem>> -> memref<128xi32, #tpu.memory_space<vmem>>
    %dma_start3A_160 = arith.constant 0 : i32
    %dma_start3A_161 = arith.constant 0 : i32
    %dma_start3A_162 = tpu.memref_slice %arg2[%dma_start3A_160, %dma_start3A_161] : memref<2048x128xf32, #tpu.memory_space<hbm>> -> memref<2048x128xf32, #tpu.memory_space<hbm>>
    tpu.enqueue_indirect_dma source(%dma_start3A_162 : memref<2048x128xf32, #tpu.memory_space<hbm>>) target(%arg9 : memref<128x128xf32, #tpu.memory_space<vmem>>) offsets(%dma_start3A_159 : memref<128xi32, #tpu.memory_space<vmem>>) semaphore(%arg11 : memref<!tpu.dma_semaphore, #tpu.memory_space<semaphore_mem>>)
    %dma_wait3A_163 = arith.constant 10 : i32
    %dma_wait3A_164 = arith.constant 0 : i32
    %dma_wait3A_165 = tpu.memref_slice %arg7[%dma_wait3A_163, %dma_wait3A_164] : memref<16x128xi32, #tpu.memory_space<vmem>> -> memref<1x128xi32, #tpu.memory_space<vmem>>
    %dma_wait3A_166 = tpu.memref_squeeze %dma_wait3A_165 : memref<1x128xi32, #tpu.memory_space<vmem>> -> memref<128xi32, #tpu.memory_space<vmem>>
    %dma_wait3A_167 = arith.constant 0 : i32
    %dma_wait3A_168 = arith.constant 0 : i32
    %dma_wait3A_169 = tpu.memref_slice %arg2[%dma_wait3A_167, %dma_wait3A_168] : memref<2048x128xf32, #tpu.memory_space<hbm>> -> memref<2048x128xf32, #tpu.memory_space<hbm>>
    tpu.wait_indirect_dma semaphore(%arg11 : memref<!tpu.dma_semaphore, #tpu.memory_space<semaphore_mem>>) src(%dma_wait3A_169 : memref<2048x128xf32, #tpu.memory_space<hbm>>) dst(%arg9 : memref<128x128xf32, #tpu.memory_space<vmem>>)
    %run_scoped3A_170 = arith.constant 10 : i32
    "tpu.region"() ({
      %run_scoped3A_251 = tpu.sem_alloc : memref<!tpu.dma_semaphore, #tpu.memory_space<semaphore_mem>>
      %dma_start3A_252 = arith.constant 0 : i32
      %dma_start3A_253 = tpu.memref_slice %arg8[%run_scoped3A_170, %dma_start3A_252] : memref<16x128xi32, #tpu.memory_space<vmem>> -> memref<1x128xi32, #tpu.memory_space<vmem>>
      %dma_start3A_254 = tpu.memref_squeeze %dma_start3A_253 : memref<1x128xi32, #tpu.memory_space<vmem>> -> memref<128xi32, #tpu.memory_space<vmem>>
      %dma_start3A_255 = arith.constant 0 : i32
      %dma_start3A_256 = arith.constant 0 : i32
      %dma_start3A_257 = tpu.memref_slice %arg10[%dma_start3A_255, %dma_start3A_256] : memref<2048x128xf32, #tpu.memory_space<vmem_shared>> -> memref<2048x128xf32, #tpu.memory_space<vmem_shared>>
      tpu.enqueue_indirect_dma source(%arg9 : memref<128x128xf32, #tpu.memory_space<vmem>>) target(%dma_start3A_257 : memref<2048x128xf32, #tpu.memory_space<vmem_shared>>) offsets(%dma_start3A_254 : memref<128xi32, #tpu.memory_space<vmem>>) semaphore(%run_scoped3A_251 : memref<!tpu.dma_semaphore, #tpu.memory_space<semaphore_mem>>) {add = true}
      %dma_wait3A_258 = arith.constant 0 : i32
      %dma_wait3A_259 = tpu.memref_slice %arg8[%run_scoped3A_170, %dma_wait3A_258] : memref<16x128xi32, #tpu.memory_space<vmem>> -> memref<1x128xi32, #tpu.memory_space<vmem>>
      %dma_wait3A_260 = tpu.memref_squeeze %dma_wait3A_259 : memref<1x128xi32, #tpu.memory_space<vmem>> -> memref<128xi32, #tpu.memory_space<vmem>>
      %dma_wait3A_261 = arith.constant 0 : i32
      %dma_wait3A_262 = arith.constant 0 : i32
      %dma_wait3A_263 = tpu.memref_slice %arg10[%dma_wait3A_261, %dma_wait3A_262] : memref<2048x128xf32, #tpu.memory_space<vmem_shared>> -> memref<2048x128xf32, #tpu.memory_space<vmem_shared>>
      tpu.wait_indirect_dma semaphore(%run_scoped3A_251 : memref<!tpu.dma_semaphore, #tpu.memory_space<semaphore_mem>>) src(%arg9 : memref<128x128xf32, #tpu.memory_space<vmem>>) dst(%dma_wait3A_263 : memref<2048x128xf32, #tpu.memory_space<vmem_shared>>)
      tpu.yield
    }) : () -> ()
    %dma_start3A_171 = arith.constant 11 : i32
    %dma_start3A_172 = arith.constant 0 : i32
    %dma_start3A_173 = tpu.memref_slice %arg7[%dma_start3A_171, %dma_start3A_172] : memref<16x128xi32, #tpu.memory_space<vmem>> -> memref<1x128xi32, #tpu.memory_space<vmem>>
    %dma_start3A_174 = tpu.memref_squeeze %dma_start3A_173 : memref<1x128xi32, #tpu.memory_space<vmem>> -> memref<128xi32, #tpu.memory_space<vmem>>
    %dma_start3A_175 = arith.constant 0 : i32
    %dma_start3A_176 = arith.constant 0 : i32
    %dma_start3A_177 = tpu.memref_slice %arg2[%dma_start3A_175, %dma_start3A_176] : memref<2048x128xf32, #tpu.memory_space<hbm>> -> memref<2048x128xf32, #tpu.memory_space<hbm>>
    tpu.enqueue_indirect_dma source(%dma_start3A_177 : memref<2048x128xf32, #tpu.memory_space<hbm>>) target(%arg9 : memref<128x128xf32, #tpu.memory_space<vmem>>) offsets(%dma_start3A_174 : memref<128xi32, #tpu.memory_space<vmem>>) semaphore(%arg11 : memref<!tpu.dma_semaphore, #tpu.memory_space<semaphore_mem>>)
    %dma_wait3A_178 = arith.constant 11 : i32
    %dma_wait3A_179 = arith.constant 0 : i32
    %dma_wait3A_180 = tpu.memref_slice %arg7[%dma_wait3A_178, %dma_wait3A_179] : memref<16x128xi32, #tpu.memory_space<vmem>> -> memref<1x128xi32, #tpu.memory_space<vmem>>
    %dma_wait3A_181 = tpu.memref_squeeze %dma_wait3A_180 : memref<1x128xi32, #tpu.memory_space<vmem>> -> memref<128xi32, #tpu.memory_space<vmem>>
    %dma_wait3A_182 = arith.constant 0 : i32
    %dma_wait3A_183 = arith.constant 0 : i32
    %dma_wait3A_184 = tpu.memref_slice %arg2[%dma_wait3A_182, %dma_wait3A_183] : memref<2048x128xf32, #tpu.memory_space<hbm>> -> memref<2048x128xf32, #tpu.memory_space<hbm>>
    tpu.wait_indirect_dma semaphore(%arg11 : memref<!tpu.dma_semaphore, #tpu.memory_space<semaphore_mem>>) src(%dma_wait3A_184 : memref<2048x128xf32, #tpu.memory_space<hbm>>) dst(%arg9 : memref<128x128xf32, #tpu.memory_space<vmem>>)
    %run_scoped3A_185 = arith.constant 11 : i32
    "tpu.region"() ({
      %run_scoped3A_251 = tpu.sem_alloc : memref<!tpu.dma_semaphore, #tpu.memory_space<semaphore_mem>>
      %dma_start3A_252 = arith.constant 0 : i32
      %dma_start3A_253 = tpu.memref_slice %arg8[%run_scoped3A_185, %dma_start3A_252] : memref<16x128xi32, #tpu.memory_space<vmem>> -> memref<1x128xi32, #tpu.memory_space<vmem>>
      %dma_start3A_254 = tpu.memref_squeeze %dma_start3A_253 : memref<1x128xi32, #tpu.memory_space<vmem>> -> memref<128xi32, #tpu.memory_space<vmem>>
      %dma_start3A_255 = arith.constant 0 : i32
      %dma_start3A_256 = arith.constant 0 : i32
      %dma_start3A_257 = tpu.memref_slice %arg10[%dma_start3A_255, %dma_start3A_256] : memref<2048x128xf32, #tpu.memory_space<vmem_shared>> -> memref<2048x128xf32, #tpu.memory_space<vmem_shared>>
      tpu.enqueue_indirect_dma source(%arg9 : memref<128x128xf32, #tpu.memory_space<vmem>>) target(%dma_start3A_257 : memref<2048x128xf32, #tpu.memory_space<vmem_shared>>) offsets(%dma_start3A_254 : memref<128xi32, #tpu.memory_space<vmem>>) semaphore(%run_scoped3A_251 : memref<!tpu.dma_semaphore, #tpu.memory_space<semaphore_mem>>) {add = true}
      %dma_wait3A_258 = arith.constant 0 : i32
      %dma_wait3A_259 = tpu.memref_slice %arg8[%run_scoped3A_185, %dma_wait3A_258] : memref<16x128xi32, #tpu.memory_space<vmem>> -> memref<1x128xi32, #tpu.memory_space<vmem>>
      %dma_wait3A_260 = tpu.memref_squeeze %dma_wait3A_259 : memref<1x128xi32, #tpu.memory_space<vmem>> -> memref<128xi32, #tpu.memory_space<vmem>>
      %dma_wait3A_261 = arith.constant 0 : i32
      %dma_wait3A_262 = arith.constant 0 : i32
      %dma_wait3A_263 = tpu.memref_slice %arg10[%dma_wait3A_261, %dma_wait3A_262] : memref<2048x128xf32, #tpu.memory_space<vmem_shared>> -> memref<2048x128xf32, #tpu.memory_space<vmem_shared>>
      tpu.wait_indirect_dma semaphore(%run_scoped3A_251 : memref<!tpu.dma_semaphore, #tpu.memory_space<semaphore_mem>>) src(%arg9 : memref<128x128xf32, #tpu.memory_space<vmem>>) dst(%dma_wait3A_263 : memref<2048x128xf32, #tpu.memory_space<vmem_shared>>)
      tpu.yield
    }) : () -> ()
    %dma_start3A_186 = arith.constant 12 : i32
    %dma_start3A_187 = arith.constant 0 : i32
    %dma_start3A_188 = tpu.memref_slice %arg7[%dma_start3A_186, %dma_start3A_187] : memref<16x128xi32, #tpu.memory_space<vmem>> -> memref<1x128xi32, #tpu.memory_space<vmem>>
    %dma_start3A_189 = tpu.memref_squeeze %dma_start3A_188 : memref<1x128xi32, #tpu.memory_space<vmem>> -> memref<128xi32, #tpu.memory_space<vmem>>
    %dma_start3A_190 = arith.constant 0 : i32
    %dma_start3A_191 = arith.constant 0 : i32
    %dma_start3A_192 = tpu.memref_slice %arg2[%dma_start3A_190, %dma_start3A_191] : memref<2048x128xf32, #tpu.memory_space<hbm>> -> memref<2048x128xf32, #tpu.memory_space<hbm>>
    tpu.enqueue_indirect_dma source(%dma_start3A_192 : memref<2048x128xf32, #tpu.memory_space<hbm>>) target(%arg9 : memref<128x128xf32, #tpu.memory_space<vmem>>) offsets(%dma_start3A_189 : memref<128xi32, #tpu.memory_space<vmem>>) semaphore(%arg11 : memref<!tpu.dma_semaphore, #tpu.memory_space<semaphore_mem>>)
    %dma_wait3A_193 = arith.constant 12 : i32
    %dma_wait3A_194 = arith.constant 0 : i32
    %dma_wait3A_195 = tpu.memref_slice %arg7[%dma_wait3A_193, %dma_wait3A_194] : memref<16x128xi32, #tpu.memory_space<vmem>> -> memref<1x128xi32, #tpu.memory_space<vmem>>
    %dma_wait3A_196 = tpu.memref_squeeze %dma_wait3A_195 : memref<1x128xi32, #tpu.memory_space<vmem>> -> memref<128xi32, #tpu.memory_space<vmem>>
    %dma_wait3A_197 = arith.constant 0 : i32
    %dma_wait3A_198 = arith.constant 0 : i32
    %dma_wait3A_199 = tpu.memref_slice %arg2[%dma_wait3A_197, %dma_wait3A_198] : memref<2048x128xf32, #tpu.memory_space<hbm>> -> memref<2048x128xf32, #tpu.memory_space<hbm>>
    tpu.wait_indirect_dma semaphore(%arg11 : memref<!tpu.dma_semaphore, #tpu.memory_space<semaphore_mem>>) src(%dma_wait3A_199 : memref<2048x128xf32, #tpu.memory_space<hbm>>) dst(%arg9 : memref<128x128xf32, #tpu.memory_space<vmem>>)
    %run_scoped3A_200 = arith.constant 12 : i32
    "tpu.region"() ({
      %run_scoped3A_251 = tpu.sem_alloc : memref<!tpu.dma_semaphore, #tpu.memory_space<semaphore_mem>>
      %dma_start3A_252 = arith.constant 0 : i32
      %dma_start3A_253 = tpu.memref_slice %arg8[%run_scoped3A_200, %dma_start3A_252] : memref<16x128xi32, #tpu.memory_space<vmem>> -> memref<1x128xi32, #tpu.memory_space<vmem>>
      %dma_start3A_254 = tpu.memref_squeeze %dma_start3A_253 : memref<1x128xi32, #tpu.memory_space<vmem>> -> memref<128xi32, #tpu.memory_space<vmem>>
      %dma_start3A_255 = arith.constant 0 : i32
      %dma_start3A_256 = arith.constant 0 : i32
      %dma_start3A_257 = tpu.memref_slice %arg10[%dma_start3A_255, %dma_start3A_256] : memref<2048x128xf32, #tpu.memory_space<vmem_shared>> -> memref<2048x128xf32, #tpu.memory_space<vmem_shared>>
      tpu.enqueue_indirect_dma source(%arg9 : memref<128x128xf32, #tpu.memory_space<vmem>>) target(%dma_start3A_257 : memref<2048x128xf32, #tpu.memory_space<vmem_shared>>) offsets(%dma_start3A_254 : memref<128xi32, #tpu.memory_space<vmem>>) semaphore(%run_scoped3A_251 : memref<!tpu.dma_semaphore, #tpu.memory_space<semaphore_mem>>) {add = true}
      %dma_wait3A_258 = arith.constant 0 : i32
      %dma_wait3A_259 = tpu.memref_slice %arg8[%run_scoped3A_200, %dma_wait3A_258] : memref<16x128xi32, #tpu.memory_space<vmem>> -> memref<1x128xi32, #tpu.memory_space<vmem>>
      %dma_wait3A_260 = tpu.memref_squeeze %dma_wait3A_259 : memref<1x128xi32, #tpu.memory_space<vmem>> -> memref<128xi32, #tpu.memory_space<vmem>>
      %dma_wait3A_261 = arith.constant 0 : i32
      %dma_wait3A_262 = arith.constant 0 : i32
      %dma_wait3A_263 = tpu.memref_slice %arg10[%dma_wait3A_261, %dma_wait3A_262] : memref<2048x128xf32, #tpu.memory_space<vmem_shared>> -> memref<2048x128xf32, #tpu.memory_space<vmem_shared>>
      tpu.wait_indirect_dma semaphore(%run_scoped3A_251 : memref<!tpu.dma_semaphore, #tpu.memory_space<semaphore_mem>>) src(%arg9 : memref<128x128xf32, #tpu.memory_space<vmem>>) dst(%dma_wait3A_263 : memref<2048x128xf32, #tpu.memory_space<vmem_shared>>)
      tpu.yield
    }) : () -> ()
    %dma_start3A_201 = arith.constant 13 : i32
    %dma_start3A_202 = arith.constant 0 : i32
    %dma_start3A_203 = tpu.memref_slice %arg7[%dma_start3A_201, %dma_start3A_202] : memref<16x128xi32, #tpu.memory_space<vmem>> -> memref<1x128xi32, #tpu.memory_space<vmem>>
    %dma_start3A_204 = tpu.memref_squeeze %dma_start3A_203 : memref<1x128xi32, #tpu.memory_space<vmem>> -> memref<128xi32, #tpu.memory_space<vmem>>
    %dma_start3A_205 = arith.constant 0 : i32
    %dma_start3A_206 = arith.constant 0 : i32
    %dma_start3A_207 = tpu.memref_slice %arg2[%dma_start3A_205, %dma_start3A_206] : memref<2048x128xf32, #tpu.memory_space<hbm>> -> memref<2048x128xf32, #tpu.memory_space<hbm>>
    tpu.enqueue_indirect_dma source(%dma_start3A_207 : memref<2048x128xf32, #tpu.memory_space<hbm>>) target(%arg9 : memref<128x128xf32, #tpu.memory_space<vmem>>) offsets(%dma_start3A_204 : memref<128xi32, #tpu.memory_space<vmem>>) semaphore(%arg11 : memref<!tpu.dma_semaphore, #tpu.memory_space<semaphore_mem>>)
    %dma_wait3A_208 = arith.constant 13 : i32
    %dma_wait3A_209 = arith.constant 0 : i32
    %dma_wait3A_210 = tpu.memref_slice %arg7[%dma_wait3A_208, %dma_wait3A_209] : memref<16x128xi32, #tpu.memory_space<vmem>> -> memref<1x128xi32, #tpu.memory_space<vmem>>
    %dma_wait3A_211 = tpu.memref_squeeze %dma_wait3A_210 : memref<1x128xi32, #tpu.memory_space<vmem>> -> memref<128xi32, #tpu.memory_space<vmem>>
    %dma_wait3A_212 = arith.constant 0 : i32
    %dma_wait3A_213 = arith.constant 0 : i32
    %dma_wait3A_214 = tpu.memref_slice %arg2[%dma_wait3A_212, %dma_wait3A_213] : memref<2048x128xf32, #tpu.memory_space<hbm>> -> memref<2048x128xf32, #tpu.memory_space<hbm>>
    tpu.wait_indirect_dma semaphore(%arg11 : memref<!tpu.dma_semaphore, #tpu.memory_space<semaphore_mem>>) src(%dma_wait3A_214 : memref<2048x128xf32, #tpu.memory_space<hbm>>) dst(%arg9 : memref<128x128xf32, #tpu.memory_space<vmem>>)
    %run_scoped3A_215 = arith.constant 13 : i32
    "tpu.region"() ({
      %run_scoped3A_251 = tpu.sem_alloc : memref<!tpu.dma_semaphore, #tpu.memory_space<semaphore_mem>>
      %dma_start3A_252 = arith.constant 0 : i32
      %dma_start3A_253 = tpu.memref_slice %arg8[%run_scoped3A_215, %dma_start3A_252] : memref<16x128xi32, #tpu.memory_space<vmem>> -> memref<1x128xi32, #tpu.memory_space<vmem>>
      %dma_start3A_254 = tpu.memref_squeeze %dma_start3A_253 : memref<1x128xi32, #tpu.memory_space<vmem>> -> memref<128xi32, #tpu.memory_space<vmem>>
      %dma_start3A_255 = arith.constant 0 : i32
      %dma_start3A_256 = arith.constant 0 : i32
      %dma_start3A_257 = tpu.memref_slice %arg10[%dma_start3A_255, %dma_start3A_256] : memref<2048x128xf32, #tpu.memory_space<vmem_shared>> -> memref<2048x128xf32, #tpu.memory_space<vmem_shared>>
      tpu.enqueue_indirect_dma source(%arg9 : memref<128x128xf32, #tpu.memory_space<vmem>>) target(%dma_start3A_257 : memref<2048x128xf32, #tpu.memory_space<vmem_shared>>) offsets(%dma_start3A_254 : memref<128xi32, #tpu.memory_space<vmem>>) semaphore(%run_scoped3A_251 : memref<!tpu.dma_semaphore, #tpu.memory_space<semaphore_mem>>) {add = true}
      %dma_wait3A_258 = arith.constant 0 : i32
      %dma_wait3A_259 = tpu.memref_slice %arg8[%run_scoped3A_215, %dma_wait3A_258] : memref<16x128xi32, #tpu.memory_space<vmem>> -> memref<1x128xi32, #tpu.memory_space<vmem>>
      %dma_wait3A_260 = tpu.memref_squeeze %dma_wait3A_259 : memref<1x128xi32, #tpu.memory_space<vmem>> -> memref<128xi32, #tpu.memory_space<vmem>>
      %dma_wait3A_261 = arith.constant 0 : i32
      %dma_wait3A_262 = arith.constant 0 : i32
      %dma_wait3A_263 = tpu.memref_slice %arg10[%dma_wait3A_261, %dma_wait3A_262] : memref<2048x128xf32, #tpu.memory_space<vmem_shared>> -> memref<2048x128xf32, #tpu.memory_space<vmem_shared>>
      tpu.wait_indirect_dma semaphore(%run_scoped3A_251 : memref<!tpu.dma_semaphore, #tpu.memory_space<semaphore_mem>>) src(%arg9 : memref<128x128xf32, #tpu.memory_space<vmem>>) dst(%dma_wait3A_263 : memref<2048x128xf32, #tpu.memory_space<vmem_shared>>)
      tpu.yield
    }) : () -> ()
    %dma_start3A_216 = arith.constant 14 : i32
    %dma_start3A_217 = arith.constant 0 : i32
    %dma_start3A_218 = tpu.memref_slice %arg7[%dma_start3A_216, %dma_start3A_217] : memref<16x128xi32, #tpu.memory_space<vmem>> -> memref<1x128xi32, #tpu.memory_space<vmem>>
    %dma_start3A_219 = tpu.memref_squeeze %dma_start3A_218 : memref<1x128xi32, #tpu.memory_space<vmem>> -> memref<128xi32, #tpu.memory_space<vmem>>
    %dma_start3A_220 = arith.constant 0 : i32
    %dma_start3A_221 = arith.constant 0 : i32
    %dma_start3A_222 = tpu.memref_slice %arg2[%dma_start3A_220, %dma_start3A_221] : memref<2048x128xf32, #tpu.memory_space<hbm>> -> memref<2048x128xf32, #tpu.memory_space<hbm>>
    tpu.enqueue_indirect_dma source(%dma_start3A_222 : memref<2048x128xf32, #tpu.memory_space<hbm>>) target(%arg9 : memref<128x128xf32, #tpu.memory_space<vmem>>) offsets(%dma_start3A_219 : memref<128xi32, #tpu.memory_space<vmem>>) semaphore(%arg11 : memref<!tpu.dma_semaphore, #tpu.memory_space<semaphore_mem>>)
    %dma_wait3A_223 = arith.constant 14 : i32
    %dma_wait3A_224 = arith.constant 0 : i32
    %dma_wait3A_225 = tpu.memref_slice %arg7[%dma_wait3A_223, %dma_wait3A_224] : memref<16x128xi32, #tpu.memory_space<vmem>> -> memref<1x128xi32, #tpu.memory_space<vmem>>
    %dma_wait3A_226 = tpu.memref_squeeze %dma_wait3A_225 : memref<1x128xi32, #tpu.memory_space<vmem>> -> memref<128xi32, #tpu.memory_space<vmem>>
    %dma_wait3A_227 = arith.constant 0 : i32
    %dma_wait3A_228 = arith.constant 0 : i32
    %dma_wait3A_229 = tpu.memref_slice %arg2[%dma_wait3A_227, %dma_wait3A_228] : memref<2048x128xf32, #tpu.memory_space<hbm>> -> memref<2048x128xf32, #tpu.memory_space<hbm>>
    tpu.wait_indirect_dma semaphore(%arg11 : memref<!tpu.dma_semaphore, #tpu.memory_space<semaphore_mem>>) src(%dma_wait3A_229 : memref<2048x128xf32, #tpu.memory_space<hbm>>) dst(%arg9 : memref<128x128xf32, #tpu.memory_space<vmem>>)
    %run_scoped3A_230 = arith.constant 14 : i32
    "tpu.region"() ({
      %run_scoped3A_251 = tpu.sem_alloc : memref<!tpu.dma_semaphore, #tpu.memory_space<semaphore_mem>>
      %dma_start3A_252 = arith.constant 0 : i32
      %dma_start3A_253 = tpu.memref_slice %arg8[%run_scoped3A_230, %dma_start3A_252] : memref<16x128xi32, #tpu.memory_space<vmem>> -> memref<1x128xi32, #tpu.memory_space<vmem>>
      %dma_start3A_254 = tpu.memref_squeeze %dma_start3A_253 : memref<1x128xi32, #tpu.memory_space<vmem>> -> memref<128xi32, #tpu.memory_space<vmem>>
      %dma_start3A_255 = arith.constant 0 : i32
      %dma_start3A_256 = arith.constant 0 : i32
      %dma_start3A_257 = tpu.memref_slice %arg10[%dma_start3A_255, %dma_start3A_256] : memref<2048x128xf32, #tpu.memory_space<vmem_shared>> -> memref<2048x128xf32, #tpu.memory_space<vmem_shared>>
      tpu.enqueue_indirect_dma source(%arg9 : memref<128x128xf32, #tpu.memory_space<vmem>>) target(%dma_start3A_257 : memref<2048x128xf32, #tpu.memory_space<vmem_shared>>) offsets(%dma_start3A_254 : memref<128xi32, #tpu.memory_space<vmem>>) semaphore(%run_scoped3A_251 : memref<!tpu.dma_semaphore, #tpu.memory_space<semaphore_mem>>) {add = true}
      %dma_wait3A_258 = arith.constant 0 : i32
      %dma_wait3A_259 = tpu.memref_slice %arg8[%run_scoped3A_230, %dma_wait3A_258] : memref<16x128xi32, #tpu.memory_space<vmem>> -> memref<1x128xi32, #tpu.memory_space<vmem>>
      %dma_wait3A_260 = tpu.memref_squeeze %dma_wait3A_259 : memref<1x128xi32, #tpu.memory_space<vmem>> -> memref<128xi32, #tpu.memory_space<vmem>>
      %dma_wait3A_261 = arith.constant 0 : i32
      %dma_wait3A_262 = arith.constant 0 : i32
      %dma_wait3A_263 = tpu.memref_slice %arg10[%dma_wait3A_261, %dma_wait3A_262] : memref<2048x128xf32, #tpu.memory_space<vmem_shared>> -> memref<2048x128xf32, #tpu.memory_space<vmem_shared>>
      tpu.wait_indirect_dma semaphore(%run_scoped3A_251 : memref<!tpu.dma_semaphore, #tpu.memory_space<semaphore_mem>>) src(%arg9 : memref<128x128xf32, #tpu.memory_space<vmem>>) dst(%dma_wait3A_263 : memref<2048x128xf32, #tpu.memory_space<vmem_shared>>)
      tpu.yield
    }) : () -> ()
    %dma_start3A_231 = arith.constant 15 : i32
    %dma_start3A_232 = arith.constant 0 : i32
    %dma_start3A_233 = tpu.memref_slice %arg7[%dma_start3A_231, %dma_start3A_232] : memref<16x128xi32, #tpu.memory_space<vmem>> -> memref<1x128xi32, #tpu.memory_space<vmem>>
    %dma_start3A_234 = tpu.memref_squeeze %dma_start3A_233 : memref<1x128xi32, #tpu.memory_space<vmem>> -> memref<128xi32, #tpu.memory_space<vmem>>
    %dma_start3A_235 = arith.constant 0 : i32
    %dma_start3A_236 = arith.constant 0 : i32
    %dma_start3A_237 = tpu.memref_slice %arg2[%dma_start3A_235, %dma_start3A_236] : memref<2048x128xf32, #tpu.memory_space<hbm>> -> memref<2048x128xf32, #tpu.memory_space<hbm>>
    tpu.enqueue_indirect_dma source(%dma_start3A_237 : memref<2048x128xf32, #tpu.memory_space<hbm>>) target(%arg9 : memref<128x128xf32, #tpu.memory_space<vmem>>) offsets(%dma_start3A_234 : memref<128xi32, #tpu.memory_space<vmem>>) semaphore(%arg11 : memref<!tpu.dma_semaphore, #tpu.memory_space<semaphore_mem>>)
    %dma_wait3A_238 = arith.constant 15 : i32
    %dma_wait3A_239 = arith.constant 0 : i32
    %dma_wait3A_240 = tpu.memref_slice %arg7[%dma_wait3A_238, %dma_wait3A_239] : memref<16x128xi32, #tpu.memory_space<vmem>> -> memref<1x128xi32, #tpu.memory_space<vmem>>
    %dma_wait3A_241 = tpu.memref_squeeze %dma_wait3A_240 : memref<1x128xi32, #tpu.memory_space<vmem>> -> memref<128xi32, #tpu.memory_space<vmem>>
    %dma_wait3A_242 = arith.constant 0 : i32
    %dma_wait3A_243 = arith.constant 0 : i32
    %dma_wait3A_244 = tpu.memref_slice %arg2[%dma_wait3A_242, %dma_wait3A_243] : memref<2048x128xf32, #tpu.memory_space<hbm>> -> memref<2048x128xf32, #tpu.memory_space<hbm>>
    tpu.wait_indirect_dma semaphore(%arg11 : memref<!tpu.dma_semaphore, #tpu.memory_space<semaphore_mem>>) src(%dma_wait3A_244 : memref<2048x128xf32, #tpu.memory_space<hbm>>) dst(%arg9 : memref<128x128xf32, #tpu.memory_space<vmem>>)
    %run_scoped3A_245 = arith.constant 15 : i32
    "tpu.region"() ({
      %run_scoped3A_251 = tpu.sem_alloc : memref<!tpu.dma_semaphore, #tpu.memory_space<semaphore_mem>>
      %dma_start3A_252 = arith.constant 0 : i32
      %dma_start3A_253 = tpu.memref_slice %arg8[%run_scoped3A_245, %dma_start3A_252] : memref<16x128xi32, #tpu.memory_space<vmem>> -> memref<1x128xi32, #tpu.memory_space<vmem>>
      %dma_start3A_254 = tpu.memref_squeeze %dma_start3A_253 : memref<1x128xi32, #tpu.memory_space<vmem>> -> memref<128xi32, #tpu.memory_space<vmem>>
      %dma_start3A_255 = arith.constant 0 : i32
      %dma_start3A_256 = arith.constant 0 : i32
      %dma_start3A_257 = tpu.memref_slice %arg10[%dma_start3A_255, %dma_start3A_256] : memref<2048x128xf32, #tpu.memory_space<vmem_shared>> -> memref<2048x128xf32, #tpu.memory_space<vmem_shared>>
      tpu.enqueue_indirect_dma source(%arg9 : memref<128x128xf32, #tpu.memory_space<vmem>>) target(%dma_start3A_257 : memref<2048x128xf32, #tpu.memory_space<vmem_shared>>) offsets(%dma_start3A_254 : memref<128xi32, #tpu.memory_space<vmem>>) semaphore(%run_scoped3A_251 : memref<!tpu.dma_semaphore, #tpu.memory_space<semaphore_mem>>) {add = true}
      %dma_wait3A_258 = arith.constant 0 : i32
      %dma_wait3A_259 = tpu.memref_slice %arg8[%run_scoped3A_245, %dma_wait3A_258] : memref<16x128xi32, #tpu.memory_space<vmem>> -> memref<1x128xi32, #tpu.memory_space<vmem>>
      %dma_wait3A_260 = tpu.memref_squeeze %dma_wait3A_259 : memref<1x128xi32, #tpu.memory_space<vmem>> -> memref<128xi32, #tpu.memory_space<vmem>>
      %dma_wait3A_261 = arith.constant 0 : i32
      %dma_wait3A_262 = arith.constant 0 : i32
      %dma_wait3A_263 = tpu.memref_slice %arg10[%dma_wait3A_261, %dma_wait3A_262] : memref<2048x128xf32, #tpu.memory_space<vmem_shared>> -> memref<2048x128xf32, #tpu.memory_space<vmem_shared>>
      tpu.wait_indirect_dma semaphore(%run_scoped3A_251 : memref<!tpu.dma_semaphore, #tpu.memory_space<semaphore_mem>>) src(%arg9 : memref<128x128xf32, #tpu.memory_space<vmem>>) dst(%dma_wait3A_263 : memref<2048x128xf32, #tpu.memory_space<vmem_shared>>)
      tpu.yield
    }) : () -> ()
    %barrier3A_246 = arith.constant 0 : index
    tpu.barrier barrier_id(%barrier3A_246)
    %mul3A_247 = arith.constant 128 : i32
    %mul3A_248 = arith.muli %arg1, %mul3A_247 : i32
    %mul3A_249 = arith.constant 128 : i32
    %mul3A_250 = arith.muli %arg1, %mul3A_249 : i32
    "tpu.region"() ({
      %run_scoped3A_251 = tpu.sem_alloc : memref<!tpu.dma_semaphore, #tpu.memory_space<semaphore_mem>>
      %dma_start3A_252 = arith.constant 0 : i32
      %dma_start3A_253 = tpu.memref_slice %arg6[%arg0, %mul3A_250, %dma_start3A_252] : memref<2x2048x128xf32, #tpu.memory_space<hbm>> -> memref<1x128x128xf32, #tpu.memory_space<hbm>>
      %dma_start3A_254 = tpu.memref_squeeze %dma_start3A_253 : memref<1x128x128xf32, #tpu.memory_space<hbm>> -> memref<128x128xf32, #tpu.memory_space<hbm>>
      %dma_start3A_255 = arith.constant 0 : i32
      %dma_start3A_256 = tpu.memref_slice %arg10[%mul3A_248, %dma_start3A_255] : memref<2048x128xf32, #tpu.memory_space<vmem_shared>> -> memref<128x128xf32, #tpu.memory_space<vmem_shared>>
      tpu.enqueue_dma source(%dma_start3A_256 : memref<128x128xf32, #tpu.memory_space<vmem_shared>>) target(%dma_start3A_254 : memref<128x128xf32, #tpu.memory_space<hbm>>) target_semaphore(%run_scoped3A_251 : memref<!tpu.dma_semaphore, #tpu.memory_space<semaphore_mem>>)
      %dma_wait3A_257 = arith.constant 0 : i32
      %dma_wait3A_258 = tpu.memref_slice %arg6[%arg0, %mul3A_250, %dma_wait3A_257] : memref<2x2048x128xf32, #tpu.memory_space<hbm>> -> memref<1x128x128xf32, #tpu.memory_space<hbm>>
      %dma_wait3A_259 = tpu.memref_squeeze %dma_wait3A_258 : memref<1x128x128xf32, #tpu.memory_space<hbm>> -> memref<128x128xf32, #tpu.memory_space<hbm>>
      %dma_wait3A_260 = arith.constant 0 : i32
      %dma_wait3A_261 = tpu.memref_slice %arg10[%mul3A_248, %dma_wait3A_260] : memref<2048x128xf32, #tpu.memory_space<vmem_shared>> -> memref<128x128xf32, #tpu.memory_space<vmem_shared>>
      tpu.wait_dma2 semaphore(%run_scoped3A_251 : memref<!tpu.dma_semaphore, #tpu.memory_space<semaphore_mem>>) src(%dma_wait3A_261 : memref<128x128xf32, #tpu.memory_space<vmem_shared>>) dst(%dma_wait3A_259 : memref<128x128xf32, #tpu.memory_space<hbm>>)
      tpu.yield
    }) : () -> ()
    return
  }
}

module attributes {stable_mosaic.version = 14 : i64} {
  func.func @_pre_body(%arg0: memref<2048x60xf32, #tpu.memory_space<vmem>>, %arg1: memref<128x60xf32, #tpu.memory_space<vmem>>, %arg2: memref<1x128xf32, #tpu.memory_space<vmem>>, %arg3: memref<2048x128xf32, #tpu.memory_space<vmem>>) attributes {dimension_semantics = [], scalar_prefetch = 0 : i64, scratch_operands = 0 : i64, tpu.core_type = #tpu.core_type<tc>} {
    %get3A = arith.constant 0 : index
    %get3A_0 = arith.constant 0 : index
    %get3A_1 = vector.load %arg0[%get3A, %get3A_0] : memref<2048x60xf32, #tpu.memory_space<vmem>>, vector<2048x60xf32>
    %get3A_2 = arith.constant 0 : index
    %get3A_3 = arith.constant 0 : index
    %get3A_4 = vector.load %arg1[%get3A_2, %get3A_3] : memref<128x60xf32, #tpu.memory_space<vmem>>, vector<128x60xf32>
    %dot_general3A = arith.constant dense<0.000000e+00> : vector<2048x128xf32>
    %dot_general3A_5 = tpu.matmul %get3A_1, %get3A_4, %dot_general3A {dimension_numbers = #tpu.dot_dimension_numbers<[1], [1], [0], [0], [0, 0, 1, 0], [], []>, transpose_lhs_hint = false} : vector<2048x60xf32>, vector<128x60xf32>, vector<2048x128xf32> -> vector<2048x128xf32>
    %get3A_6 = arith.constant 0 : index
    %get3A_7 = arith.constant 0 : index
    %get3A_8 = vector.load %arg2[%get3A_6, %get3A_7] : memref<1x128xf32, #tpu.memory_space<vmem>>, vector<1x128xf32>
    %add3A = vector.broadcast %get3A_8 : vector<1x128xf32> to vector<2048x128xf32>
    %add3A_9 = arith.addf %dot_general3A_5, %add3A : vector<2048x128xf32>
    %swap3A = arith.constant 0 : index
    %swap3A_10 = arith.constant 0 : index
    %swap3A_11 = vector.load %arg3[%swap3A, %swap3A_10] : memref<2048x128xf32, #tpu.memory_space<vmem>>, vector<2048x128xf32>
    tpu.vector_store %arg3[%swap3A, %swap3A_10], %add3A_9 {strides = array<i32>} : memref<2048x128xf32, #tpu.memory_space<vmem>>, vector<2048x128xf32>,
    return
  }
}

module attributes {stable_mosaic.version = 14 : i64} {
  func.func @_head_body(%arg0: memref<2x2048x128xf32, #tpu.memory_space<vmem>>, %arg1: memref<1x128xf32, #tpu.memory_space<vmem>>, %arg2: memref<1x128xf32, #tpu.memory_space<vmem>>, %arg3: memref<1x1xf32, #tpu.memory_space<smem>>, %arg4: memref<256x128xf32, #tpu.memory_space<vmem>>, %arg5: memref<256x128xf32, #tpu.memory_space<vmem>>, %arg6: memref<1x256xf32, #tpu.memory_space<vmem>>, %arg7: memref<256x256xf32, #tpu.memory_space<vmem>>, %arg8: memref<1x256xf32, #tpu.memory_space<vmem>>, %arg9: memref<1x256xf32, #tpu.memory_space<vmem>>, %arg10: memref<1x1xf32, #tpu.memory_space<smem>>, %arg11: memref<1x1xf32, #tpu.memory_space<smem>>) attributes {dimension_semantics = [], scalar_prefetch = 0 : i64, scratch_operands = 0 : i64, tpu.core_type = #tpu.core_type<tc>} {
    %get3A = arith.constant 0 : index
    %get3A_0 = arith.constant 0 : index
    %get3A_1 = arith.constant 0 : index
    %get3A_2 = vector.load %arg0[%get3A, %get3A_0, %get3A_1] : memref<2x2048x128xf32, #tpu.memory_space<vmem>>, vector<1x2048x128xf32>
    %get3A_3 = vector.shape_cast %get3A_2 : vector<1x2048x128xf32> to vector<2048x128xf32>
    %get3A_4 = arith.constant 1 : index
    %get3A_5 = arith.constant 0 : index
    %get3A_6 = arith.constant 0 : index
    %get3A_7 = vector.load %arg0[%get3A_4, %get3A_5, %get3A_6] : memref<2x2048x128xf32, #tpu.memory_space<vmem>>, vector<1x2048x128xf32>
    %get3A_8 = vector.shape_cast %get3A_7 : vector<1x2048x128xf32> to vector<2048x128xf32>
    %add3A = arith.addf %get3A_3, %get3A_8 : vector<2048x128xf32>
    %iota3A = tpu.iota {dimensions = array<i32: 1>} : vector<2048x128xi32>
    %eq3A = arith.constant 32 : i32
    %eq3A_9 = vector.broadcast %eq3A : i32 to vector<2048x128xi32>
    %eq3A_10 = arith.cmpi eq, %iota3A, %eq3A_9 : vector<2048x128xi32>
    %convert_element_type3A = arith.extui %eq3A_10 : vector<2048x128xi1> to vector<2048x128xi32>
    %convert_element_type3A_11 = arith.sitofp %convert_element_type3A : vector<2048x128xi32> to vector<2048x128xf32>
    %mul3A = arith.mulf %add3A, %convert_element_type3A_11 : vector<2048x128xf32>
    %reduce_sum3A = arith.constant dense<0.000000e+00> : vector<2048xf32>
    %reduce_sum3A_12 = vector.multi_reduction <add>, %mul3A, %reduce_sum3A [1] : vector<2048x128xf32> to vector<2048xf32>
    %broadcast_in_dim3A = vector.shape_cast %reduce_sum3A_12 : vector<2048xf32> to vector<2048x1xf32>
    %max3A = arith.constant 1.000000e+00 : f32
    %max3A_13 = vector.broadcast %max3A : f32 to vector<2048x1xf32>
    %max3A_14 = arith.maximumf %broadcast_in_dim3A, %max3A_13 : vector<2048x1xf32>
    %div3A = vector.broadcast %max3A_14 : vector<2048x1xf32> to vector<2048x128xf32>
    %div3A_15 = arith.divf %add3A, %div3A : vector<2048x128xf32>
    %slice3A = vector.extract_strided_slice %div3A_15 {offsets = [0, 0], sizes = [1024, 128], strides = [1, 1]} : vector<2048x128xf32> to vector<1024x128xf32>
    %slice3A_16 = vector.extract_strided_slice %div3A_15 {offsets = [1024, 0], sizes = [1024, 128], strides = [1, 1]} : vector<2048x128xf32> to vector<1024x128xf32>
    %get3A_17 = arith.constant 0 : index
    %get3A_18 = arith.constant 0 : index
    %get3A_19 = vector.load %arg1[%get3A_17, %get3A_18] : memref<1x128xf32, #tpu.memory_space<vmem>>, vector<1x128xf32>
    %dot_general3A = arith.constant dense<0.000000e+00> : vector<1024x1xf32>
    %dot_general3A_20 = tpu.matmul %slice3A, %get3A_19, %dot_general3A {dimension_numbers = #tpu.dot_dimension_numbers<[1], [1], [0], [0], [0, 0, 1, 0], [], []>, transpose_lhs_hint = false} : vector<1024x128xf32>, vector<1x128xf32>, vector<1024x1xf32> -> vector<1024x1xf32>
    %get3A_21 = arith.constant 0 : index
    %get3A_22 = arith.constant 0 : index
    %get3A_23 = vector.load %arg2[%get3A_21, %get3A_22] : memref<1x128xf32, #tpu.memory_space<vmem>>, vector<1x128xf32>
    %dot_general3A_24 = arith.constant dense<0.000000e+00> : vector<1024x1xf32>
    %dot_general3A_25 = tpu.matmul %slice3A_16, %get3A_23, %dot_general3A_24 {dimension_numbers = #tpu.dot_dimension_numbers<[1], [1], [0], [0], [0, 0, 1, 0], [], []>, transpose_lhs_hint = false} : vector<1024x128xf32>, vector<1x128xf32>, vector<1024x1xf32> -> vector<1024x1xf32>
    %get3A_26 = arith.constant 0 : index
    %get3A_27 = arith.constant 0 : index
    %get3A_28 = memref.load %arg3[%get3A_26, %get3A_27] : memref<1x1xf32, #tpu.memory_space<smem>>
    %reduce_sum3A_29 = vector.shape_cast %dot_general3A_20 : vector<1024x1xf32> to vector<1x1024x1xf32>
    %reduce_sum3A_30 = arith.constant dense<0.000000e+00> : vector<1xf32>
    %reduce_sum3A_31 = vector.multi_reduction <add>, %reduce_sum3A_29, %reduce_sum3A_30 [1, 2] : vector<1x1024x1xf32> to vector<1xf32>
    %reduce_sum3A_32 = vector.shape_cast %reduce_sum3A_31 : vector<1xf32> to vector<1x1x1xf32>
    %reduce_sum3A_33 = vector.extract %reduce_sum3A_32[0, 0, 0] : f32 from vector<1x1x1xf32>
    %reduce_sum3A_34 = vector.shape_cast %dot_general3A_25 : vector<1024x1xf32> to vector<1x1024x1xf32>
    %reduce_sum3A_35 = arith.constant dense<0.000000e+00> : vector<1xf32>
    %reduce_sum3A_36 = vector.multi_reduction <add>, %reduce_sum3A_34, %reduce_sum3A_35 [1, 2] : vector<1x1024x1xf32> to vector<1xf32>
    %reduce_sum3A_37 = vector.shape_cast %reduce_sum3A_36 : vector<1xf32> to vector<1x1x1xf32>
    %reduce_sum3A_38 = vector.extract %reduce_sum3A_37[0, 0, 0] : f32 from vector<1x1x1xf32>
    %reduce_sum3A_39 = arith.constant dense<0.000000e+00> : vector<128xf32>
    %reduce_sum3A_40 = vector.multi_reduction <add>, %slice3A, %reduce_sum3A_39 [0] : vector<1024x128xf32> to vector<128xf32>
    %broadcast_in_dim3A_41 = vector.shape_cast %reduce_sum3A_40 : vector<128xf32> to vector<1x128xf32>
    %reduce_sum3A_42 = arith.constant dense<0.000000e+00> : vector<128xf32>
    %reduce_sum3A_43 = vector.multi_reduction <add>, %slice3A_16, %reduce_sum3A_42 [0] : vector<1024x128xf32> to vector<128xf32>
    %broadcast_in_dim3A_44 = vector.shape_cast %reduce_sum3A_43 : vector<128xf32> to vector<1x128xf32>
    %mul3A_45 = vector.broadcast %dot_general3A_20 : vector<1024x1xf32> to vector<1024x128xf32>
    %mul3A_46 = arith.mulf %mul3A_45, %slice3A : vector<1024x128xf32>
    %reduce_sum3A_47 = arith.constant dense<0.000000e+00> : vector<128xf32>
    %reduce_sum3A_48 = vector.multi_reduction <add>, %mul3A_46, %reduce_sum3A_47 [0] : vector<1024x128xf32> to vector<128xf32>
    %broadcast_in_dim3A_49 = vector.shape_cast %reduce_sum3A_48 : vector<128xf32> to vector<1x128xf32>
    %mul3A_50 = vector.broadcast %dot_general3A_25 : vector<1024x1xf32> to vector<1024x128xf32>
    %mul3A_51 = arith.mulf %mul3A_50, %slice3A_16 : vector<1024x128xf32>
    %reduce_sum3A_52 = arith.constant dense<0.000000e+00> : vector<128xf32>
    %reduce_sum3A_53 = vector.multi_reduction <add>, %mul3A_51, %reduce_sum3A_52 [0] : vector<1024x128xf32> to vector<128xf32>
    %broadcast_in_dim3A_54 = vector.shape_cast %reduce_sum3A_53 : vector<128xf32> to vector<1x128xf32>
    %add3A_55 = vector.broadcast %get3A_28 : f32 to vector<1024x1xf32>
    %add3A_56 = arith.addf %dot_general3A_20, %add3A_55 : vector<1024x1xf32>
    %sub3A = arith.subf %add3A_56, %dot_general3A_20 : vector<1024x1xf32>
    %sub3A_57 = arith.subf %add3A_56, %sub3A : vector<1024x1xf32>
    %sub3A_58 = arith.subf %dot_general3A_20, %sub3A_57 : vector<1024x1xf32>
    %sub3A_59 = vector.broadcast %get3A_28 : f32 to vector<1024x1xf32>
    %sub3A_60 = arith.subf %sub3A_59, %sub3A : vector<1024x1xf32>
    %add3A_61 = arith.addf %sub3A_58, %sub3A_60 : vector<1024x1xf32>
    %mul3A_62 = arith.constant 1.024000e+03 : f32
    %mul3A_63 = vector.broadcast %mul3A_62 : f32 to vector<1024x1xf32>
    %mul3A_64 = arith.mulf %mul3A_63, %add3A_56 : vector<1024x1xf32>
    %add3A_65 = vector.broadcast %reduce_sum3A_38 : f32 to vector<1024x1xf32>
    %add3A_66 = arith.addf %mul3A_64, %add3A_65 : vector<1024x1xf32>
    %sub3A_67 = arith.subf %add3A_66, %mul3A_64 : vector<1024x1xf32>
    %sub3A_68 = arith.subf %add3A_66, %sub3A_67 : vector<1024x1xf32>
    %sub3A_69 = arith.subf %mul3A_64, %sub3A_68 : vector<1024x1xf32>
    %sub3A_70 = vector.broadcast %reduce_sum3A_38 : f32 to vector<1024x1xf32>
    %sub3A_71 = arith.subf %sub3A_70, %sub3A_67 : vector<1024x1xf32>
    %add3A_72 = arith.addf %sub3A_69, %sub3A_71 : vector<1024x1xf32>
    %mul3A_73 = arith.constant 1.024000e+03 : f32
    %mul3A_74 = vector.broadcast %mul3A_73 : f32 to vector<1024x1xf32>
    %mul3A_75 = arith.mulf %mul3A_74, %add3A_61 : vector<1024x1xf32>
    %add3A_76 = arith.addf %mul3A_75, %add3A_72 : vector<1024x1xf32>
    %div3A_77 = arith.constant 1.000000e+00 : f32
    %div3A_78 = vector.broadcast %div3A_77 : f32 to vector<1024x1xf32>
    %div3A_79 = arith.divf %div3A_78, %add3A_66 : vector<1024x1xf32>
    %mul3A_80 = arith.mulf %add3A_76, %div3A_79 : vector<1024x1xf32>
    %mul3A_81 = arith.mulf %mul3A_80, %div3A_79 : vector<1024x1xf32>
    %sub3A_82 = arith.subf %div3A_79, %mul3A_81 : vector<1024x1xf32>
    %mul3A_83 = arith.mulf %add3A_56, %sub3A_82 : vector<1024x1xf32>
    %reduce_sum3A_84 = vector.shape_cast %mul3A_83 : vector<1024x1xf32> to vector<1x1024x1xf32>
    %reduce_sum3A_85 = arith.constant dense<0.000000e+00> : vector<1xf32>
    %reduce_sum3A_86 = vector.multi_reduction <add>, %reduce_sum3A_84, %reduce_sum3A_85 [1, 2] : vector<1x1024x1xf32> to vector<1xf32>
    %reduce_sum3A_87 = vector.shape_cast %reduce_sum3A_86 : vector<1xf32> to vector<1x1x1xf32>
    %reduce_sum3A_88 = vector.extract %reduce_sum3A_87[0, 0, 0] : f32 from vector<1x1x1xf32>
    %reduce_sum3A_89 = vector.shape_cast %sub3A_82 : vector<1024x1xf32> to vector<1x1024x1xf32>
    %reduce_sum3A_90 = arith.constant dense<0.000000e+00> : vector<1xf32>
    %reduce_sum3A_91 = vector.multi_reduction <add>, %reduce_sum3A_89, %reduce_sum3A_90 [1, 2] : vector<1x1024x1xf32> to vector<1xf32>
    %reduce_sum3A_92 = vector.shape_cast %reduce_sum3A_91 : vector<1xf32> to vector<1x1x1xf32>
    %reduce_sum3A_93 = vector.extract %reduce_sum3A_92[0, 0, 0] : f32 from vector<1x1x1xf32>
    %add3A_94 = vector.broadcast %get3A_28 : f32 to vector<1024x1xf32>
    %add3A_95 = arith.addf %dot_general3A_25, %add3A_94 : vector<1024x1xf32>
    %sub3A_96 = arith.subf %add3A_95, %dot_general3A_25 : vector<1024x1xf32>
    %sub3A_97 = arith.subf %add3A_95, %sub3A_96 : vector<1024x1xf32>
    %sub3A_98 = arith.subf %dot_general3A_25, %sub3A_97 : vector<1024x1xf32>
    %sub3A_99 = vector.broadcast %get3A_28 : f32 to vector<1024x1xf32>
    %sub3A_100 = arith.subf %sub3A_99, %sub3A_96 : vector<1024x1xf32>
    %add3A_101 = arith.addf %sub3A_98, %sub3A_100 : vector<1024x1xf32>
    %mul3A_102 = arith.constant 1.024000e+03 : f32
    %mul3A_103 = vector.broadcast %mul3A_102 : f32 to vector<1024x1xf32>
    %mul3A_104 = arith.mulf %mul3A_103, %add3A_95 : vector<1024x1xf32>
    %add3A_105 = vector.broadcast %reduce_sum3A_33 : f32 to vector<1024x1xf32>
    %add3A_106 = arith.addf %mul3A_104, %add3A_105 : vector<1024x1xf32>
    %sub3A_107 = arith.subf %add3A_106, %mul3A_104 : vector<1024x1xf32>
    %sub3A_108 = arith.subf %add3A_106, %sub3A_107 : vector<1024x1xf32>
    %sub3A_109 = arith.subf %mul3A_104, %sub3A_108 : vector<1024x1xf32>
    %sub3A_110 = vector.broadcast %reduce_sum3A_33 : f32 to vector<1024x1xf32>
    %sub3A_111 = arith.subf %sub3A_110, %sub3A_107 : vector<1024x1xf32>
    %add3A_112 = arith.addf %sub3A_109, %sub3A_111 : vector<1024x1xf32>
    %mul3A_113 = arith.constant 1.024000e+03 : f32
    %mul3A_114 = vector.broadcast %mul3A_113 : f32 to vector<1024x1xf32>
    %mul3A_115 = arith.mulf %mul3A_114, %add3A_101 : vector<1024x1xf32>
    %add3A_116 = arith.addf %mul3A_115, %add3A_112 : vector<1024x1xf32>
    %div3A_117 = arith.constant 1.000000e+00 : f32
    %div3A_118 = vector.broadcast %div3A_117 : f32 to vector<1024x1xf32>
    %div3A_119 = arith.divf %div3A_118, %add3A_106 : vector<1024x1xf32>
    %mul3A_120 = arith.mulf %add3A_116, %div3A_119 : vector<1024x1xf32>
    %mul3A_121 = arith.mulf %mul3A_120, %div3A_119 : vector<1024x1xf32>
    %sub3A_122 = arith.subf %div3A_119, %mul3A_121 : vector<1024x1xf32>
    %mul3A_123 = arith.mulf %add3A_95, %sub3A_122 : vector<1024x1xf32>
    %reduce_sum3A_124 = vector.shape_cast %mul3A_123 : vector<1024x1xf32> to vector<1x1024x1xf32>
    %reduce_sum3A_125 = arith.constant dense<0.000000e+00> : vector<1xf32>
    %reduce_sum3A_126 = vector.multi_reduction <add>, %reduce_sum3A_124, %reduce_sum3A_125 [1, 2] : vector<1x1024x1xf32> to vector<1xf32>
    %reduce_sum3A_127 = vector.shape_cast %reduce_sum3A_126 : vector<1xf32> to vector<1x1x1xf32>
    %reduce_sum3A_128 = vector.extract %reduce_sum3A_127[0, 0, 0] : f32 from vector<1x1x1xf32>
    %reduce_sum3A_129 = vector.shape_cast %sub3A_122 : vector<1024x1xf32> to vector<1x1024x1xf32>
    %reduce_sum3A_130 = arith.constant dense<0.000000e+00> : vector<1xf32>
    %reduce_sum3A_131 = vector.multi_reduction <add>, %reduce_sum3A_129, %reduce_sum3A_130 [1, 2] : vector<1x1024x1xf32> to vector<1xf32>
    %reduce_sum3A_132 = vector.shape_cast %reduce_sum3A_131 : vector<1xf32> to vector<1x1x1xf32>
    %reduce_sum3A_133 = vector.extract %reduce_sum3A_132[0, 0, 0] : f32 from vector<1x1x1xf32>
    %mul3A_134 = vector.broadcast %reduce_sum3A_88 : f32 to vector<1x128xf32>
    %mul3A_135 = arith.mulf %mul3A_134, %broadcast_in_dim3A_44 : vector<1x128xf32>
    %add3A_136 = arith.addf %broadcast_in_dim3A_41, %mul3A_135 : vector<1x128xf32>
    %mul3A_137 = vector.broadcast %reduce_sum3A_93 : f32 to vector<1x128xf32>
    %mul3A_138 = arith.mulf %mul3A_137, %broadcast_in_dim3A_54 : vector<1x128xf32>
    %add3A_139 = arith.addf %add3A_136, %mul3A_138 : vector<1x128xf32>
    %div3A_140 = arith.constant 1.000000e+00 : f32
    %div3A_141 = arith.constant 1.024000e+03 : f32
    %div3A_142 = arith.divf %div3A_140, %div3A_141 : f32
    %mul3A_143 = vector.broadcast %div3A_142 : f32 to vector<1x128xf32>
    %mul3A_144 = arith.mulf %add3A_139, %mul3A_143 : vector<1x128xf32>
    %mul3A_145 = vector.broadcast %reduce_sum3A_128 : f32 to vector<1x128xf32>
    %mul3A_146 = arith.mulf %mul3A_145, %broadcast_in_dim3A_41 : vector<1x128xf32>
    %add3A_147 = arith.addf %broadcast_in_dim3A_44, %mul3A_146 : vector<1x128xf32>
    %mul3A_148 = vector.broadcast %reduce_sum3A_133 : f32 to vector<1x128xf32>
    %mul3A_149 = arith.mulf %mul3A_148, %broadcast_in_dim3A_49 : vector<1x128xf32>
    %add3A_150 = arith.addf %add3A_147, %mul3A_149 : vector<1x128xf32>
    %div3A_151 = arith.constant 1.000000e+00 : f32
    %div3A_152 = arith.constant 1.024000e+03 : f32
    %div3A_153 = arith.divf %div3A_151, %div3A_152 : f32
    %mul3A_154 = vector.broadcast %div3A_153 : f32 to vector<1x128xf32>
    %mul3A_155 = arith.mulf %add3A_150, %mul3A_154 : vector<1x128xf32>
    %get3A_156 = arith.constant 0 : index
    %get3A_157 = arith.constant 0 : index
    %get3A_158 = vector.load %arg4[%get3A_156, %get3A_157] : memref<256x128xf32, #tpu.memory_space<vmem>>, vector<256x128xf32>
    %dot_general3A_159 = arith.constant dense<0.000000e+00> : vector<1x256xf32>
    %dot_general3A_160 = tpu.matmul %mul3A_144, %get3A_158, %dot_general3A_159 {dimension_numbers = #tpu.dot_dimension_numbers<[1], [1], [0], [0], [0, 0, 1, 0], [], []>, transpose_lhs_hint = false} : vector<1x128xf32>, vector<256x128xf32>, vector<1x256xf32> -> vector<1x256xf32>
    %get3A_161 = arith.constant 0 : index
    %get3A_162 = arith.constant 0 : index
    %get3A_163 = vector.load %arg5[%get3A_161, %get3A_162] : memref<256x128xf32, #tpu.memory_space<vmem>>, vector<256x128xf32>
    %dot_general3A_164 = arith.constant dense<0.000000e+00> : vector<1x256xf32>
    %dot_general3A_165 = tpu.matmul %mul3A_155, %get3A_163, %dot_general3A_164 {dimension_numbers = #tpu.dot_dimension_numbers<[1], [1], [0], [0], [0, 0, 1, 0], [], []>, transpose_lhs_hint = false} : vector<1x128xf32>, vector<256x128xf32>, vector<1x256xf32> -> vector<1x256xf32>
    %add3A_166 = arith.addf %dot_general3A_160, %dot_general3A_165 : vector<1x256xf32>
    %get3A_167 = arith.constant 0 : index
    %get3A_168 = arith.constant 0 : index
    %get3A_169 = vector.load %arg6[%get3A_167, %get3A_168] : memref<1x256xf32, #tpu.memory_space<vmem>>, vector<1x256xf32>
    %add3A_170 = arith.addf %add3A_166, %get3A_169 : vector<1x256xf32>
    %get3A_171 = arith.constant 0 : index
    %get3A_172 = arith.constant 0 : index
    %get3A_173 = vector.load %arg7[%get3A_171, %get3A_172] : memref<256x256xf32, #tpu.memory_space<vmem>>, vector<256x256xf32>
    %dot_general3A_174 = arith.constant dense<0.000000e+00> : vector<1x256xf32>
    %dot_general3A_175 = tpu.matmul %add3A_170, %get3A_173, %dot_general3A_174 {dimension_numbers = #tpu.dot_dimension_numbers<[1], [1], [0], [0], [0, 0, 1, 0], [], []>, transpose_lhs_hint = false} : vector<1x256xf32>, vector<256x256xf32>, vector<1x256xf32> -> vector<1x256xf32>
    %get3A_176 = arith.constant 0 : index
    %get3A_177 = arith.constant 0 : index
    %get3A_178 = vector.load %arg8[%get3A_176, %get3A_177] : memref<1x256xf32, #tpu.memory_space<vmem>>, vector<1x256xf32>
    %add3A_179 = arith.addf %dot_general3A_175, %get3A_178 : vector<1x256xf32>
    %convert_element_type3A_180 = arith.truncf %add3A_179 : vector<1x256xf32> to vector<1x256xbf16>
    %convert_element_type3A_181 = arith.extf %convert_element_type3A_180 : vector<1x256xbf16> to vector<1x256xf32>
    %get3A_182 = arith.constant 0 : index
    %get3A_183 = arith.constant 0 : index
    %get3A_184 = vector.load %arg9[%get3A_182, %get3A_183] : memref<1x256xf32, #tpu.memory_space<vmem>>, vector<1x256xf32>
    %convert_element_type3A_185 = arith.truncf %get3A_184 : vector<1x256xf32> to vector<1x256xbf16>
    %convert_element_type3A_186 = arith.extf %convert_element_type3A_185 : vector<1x256xbf16> to vector<1x256xf32>
    %mul3A_187 = arith.mulf %convert_element_type3A_181, %convert_element_type3A_186 : vector<1x256xf32>
    %reduce_sum3A_188 = vector.shape_cast %mul3A_187 : vector<1x256xf32> to vector<1x1x256xf32>
    %reduce_sum3A_189 = arith.constant dense<0.000000e+00> : vector<1xf32>
    %reduce_sum3A_190 = vector.multi_reduction <add>, %reduce_sum3A_188, %reduce_sum3A_189 [1, 2] : vector<1x1x256xf32> to vector<1xf32>
    %reduce_sum3A_191 = vector.shape_cast %reduce_sum3A_190 : vector<1xf32> to vector<1x1x1xf32>
    %reduce_sum3A_192 = vector.extract %reduce_sum3A_191[0, 0, 0] : f32 from vector<1x1x1xf32>
    %get3A_193 = arith.constant 0 : index
    %get3A_194 = arith.constant 0 : index
    %get3A_195 = memref.load %arg10[%get3A_193, %get3A_194] : memref<1x1xf32, #tpu.memory_space<smem>>
    %add3A_196 = arith.addf %reduce_sum3A_192, %get3A_195 : f32
    %swap3A = arith.constant 0 : index
    %swap3A_197 = arith.constant 0 : index
    %swap3A_198 = memref.load %arg11[%swap3A, %swap3A_197] : memref<1x1xf32, #tpu.memory_space<smem>>
    memref.store %add3A_196, %arg11[%swap3A, %swap3A_197] : memref<1x1xf32, #tpu.memory_space<smem>>
    return
  }
}

</mosaic_0001>

<sc_bundles>
// kernel: kernel.5.cloned.1.call-start
scs
__scs_entry_jumppad:
0x0: {  	(pc) =	sbr.rel $0x88, $3  }
0x1: {  	(tag) =	ssettag $0x0;
	lr =	simm.s32 $0x1  }
0x2: {  	[smem:$0x3F93] =	sst lr;
	_ =	strace $0xD0000000  }
0x3: {  	_ = 	snop  }
0x4: {  	_ = 	snop  }
0x5: {  	_ = 	snop  }
0x6: {  	_ = 	snop  }
0x7: {  	_ = 	snop  }
__scs_overlays_trampoline_lowered:
0x8: {  	[smem:$0x3FA2] =	sst s0  }
0x9: {  	[smem:$0x3FA3] =	sst s1  }
0xa: {  	[smem:$0x3FA4] =	sst s2  }
0xb: {  	[smem:$0x3FA5] =	sst s3  }
0xc: {  	[smem:$0x3FA6] =	sst s4  }
0xd: {  	[smem:$0x3FA7] =	sst s5  }
0xe: {  	[smem:$0x3FA8] =	sst s6  }
0xf: {  	[smem:$0x3FA9] =	sst s7  }
0x10: {  	[smem:$0x3FAA] =	sst s8  }
0x11: {  	[smem:$0x3FAB] =	sst s9;
	s0 =	simm.s32 @!p0 $0x0  }
0x12: {  	s1 =	sld [smem:$0x3F91];
	s0 =	simm.s32 @p0 $0x1  }
0x13: {  	[smem:$0x3FAC] =	sst s0;
	s0 =	simm.s32 @!p1 $0x0  }
0x14: {  	s2 =	sld [smem:$0x3F90];
	s0 =	simm.s32 @p1 $0x1  }
0x15: {  	[smem:$0x3FAD] =	sst s0;
	s0 =	simm.s32 @!p2 $0x0  }
0x16: {  	s3 =	sld [smem:$0x3FDB];
	s0 =	simm.s32 @p2 $0x1  }
0x17: {  	s4 =	simm.s32 $0x1BF5;
	[smem:$0x3FAF] =	sst s0  }
0x18: {  	s0 =	sld [smem:$0x3F92];
	_ =	swait.ge [sflag:s4], $0x0  }
0x19: {  	s7 =	sld [smem:$0x3F93]  }
0x1a: {  	s8 =	sadd.s32 $0xFFFFE003, lr  }
0x1b: {  	s9 =	sadd.s32 $0xFFFFFEF7, lr;
	s5 =	simm.s32 $0xFFFFFFFF;
	p2 =	slt.u32 s8, $0xFFFFF086  }
0x1c: {  	p1 =	slt.u32 s9, $0xF7A;
	s5 =	simm.s32 @!p2 $0x0  }
0x1d: {  	s5 =	simm.s32 @p1 $0x1;
	p0 =	seq.s32 s7, s2  }
0x1e: {  	s7 =	smul.u32 @!p0 $0xF7A, s2;
	p2 =	seq.s32 @!p0 s5, $0x0  }
0x1f: {  	s9 =	smul.u32 $0xF7A, s1;
	s8 =	simm.s32 @!p0 $0x1BF5;
	p2 =	por !p2, p0  }
0x20: {  	[sflag:s8] =	ssyncset.s32 @!p0 $0xFFFFF086;
	s6 =	sadd.s32 @!p0 s3, s7;
	s7 =	simm.s32 @!p0 $0x108  }
0x21: {  	s3 =	sadd.s32 s3, s9;
	s6 =	sadd.s32 @!p0 $0x88, s6;
	s7 =	simm.s32 @p2 $0x1082  }
0x22: {  	[simem:s7], [sflag:s8] =	dma.local @!p0 [hbm:s6], $0xF7A  }
0x23: {  	s9 =	sor.u32 $0xD0000000, s2;
	s6 =	simm.s32 $0x108;
	_ =	swait.ge @!p0 [sflag:s8], $0x0  }
0x24: {  	s3 =	sadd.s32 $0x88, s3;
	s6 =	simm.s32 @!p1 $0x1082;
	[sflag:s4] =	ssyncset.s32 $0xFFFFF086  }
0x25: {  	[simem:s6], [sflag:s4] =	dma.local [hbm:s3], $0xF7A  }
0x26: {  	[smem:$0x3F93] =	sst s1;
	(tag) =	ssettag s2;
	_ =	strace s9  }
0x27: {  	s1 =	sld [smem:$0x3FA3]  }
0x28: {  	s2 =	sld [smem:$0x3FA4]  }
0x29: {  	s4 =	sld [smem:$0x3FA6]  }
0x2a: {  	p0 =	seq.s32 s5, $0x0;
	s5 =	sld [smem:$0x3FA7]  }
0x2b: {  	s6 =	sld [smem:$0x3FA8]  }
0x2c: {  	s7 =	sld [smem:$0x3FA9]  }
0x2d: {  	s3 =	simm.s32 $0x108;
	s8 =	sld [smem:$0x3FAA]  }
0x2e: {  	s3 =	simm.s32 @!p0 $0x1082;
	s9 =	sld [smem:$0x3FAB]  }
0x2f: {  	lr =	sadd.s32 s0, s3;
	s0 =	sld [smem:$0x3FA2]  }
0x30: {  	s3 =	sld [smem:$0x3FA5]  }
0x31: {  	[smem:$0x3FAE] =	sst s10  }
0x32: {  	s10 =	sld [smem:$0x3FAC];
	_ =	sdelay $0x3  }
0x33: {  	p0 =	seq.s32 s10, $0x1;
	s10 =	sld [smem:$0x3FAE];
	_ =	sdelay $0x3  }
0x34: {  	[smem:$0x3FAE] =	sst s10  }
0x35: {  	s10 =	sld [smem:$0x3FAD];
	_ =	sdelay $0x3  }
0x36: {  	p1 =	seq.s32 s10, $0x1;
	s10 =	sld [smem:$0x3FAE];
	_ =	sdelay $0x3  }
0x37: {  	[smem:$0x3FAE] =	sst s10  }
0x38: {  	s10 =	sld [smem:$0x3FAF]  }
0x39: {  	_ = 	snop;
	(pc) =	sbr.ind lr, $3  }
0x3a: {  	_ = 	snop  }
0x3b: {  	_ = 	snop  }
0x3c: {  	p2 =	seq.s32 s10, $0x1;
	s10 =	sld [smem:$0x3FAE]  }
0x3d: {  	_ =	shalt  }
0x3e: {  	_ =	shalt  }
0x3f: {  	_ =	shalt  }
0x40: {  	_ =	shalt  }
0x41: {  	_ =	shalt  }
0x42: {  	_ =	shalt  }
0x43: {  	_ =	shalt  }
0x44: {  	_ =	shalt  }
0x45: {  	_ =	shalt  }
0x46: {  	_ =	shalt  }
0x47: {  	_ =	shalt  }
0x48: {  	_ =	shalt  }
0x49: {  	_ =	shalt  }
0x4a: {  	_ =	shalt  }
0x4b: {  	_ =	shalt  }
0x4c: {  	_ =	shalt  }
0x4d: {  	_ =	shalt  }
0x4e: {  	_ =	shalt  }
0x4f: {  	_ =	shalt  }
0x50: {  	_ =	shalt  }
0x51: {  	_ =	shalt  }
0x52: {  	_ =	shalt  }
0x53: {  	_ =	shalt  }
0x54: {  	_ =	shalt  }
0x55: {  	_ =	shalt  }
0x56: {  	_ =	shalt  }
0x57: {  	_ =	shalt  }
0x58: {  	_ =	shalt  }
0x59: {  	_ =	shalt  }
0x5a: {  	_ =	shalt  }
0x5b: {  	_ =	shalt  }
0x5c: {  	_ =	shalt  }
0x5d: {  	_ =	shalt  }
0x5e: {  	_ =	shalt  }
0x5f: {  	_ =	shalt  }
0x60: {  	_ =	shalt  }
0x61: {  	_ =	shalt  }
0x62: {  	_ =	shalt  }
0x63: {  	_ =	shalt  }
0x64: {  	_ =	shalt  }
0x65: {  	_ =	shalt  }
0x66: {  	_ =	shalt  }
0x67: {  	_ =	shalt  }
0x68: {  	_ =	shalt  }
0x69: {  	_ =	shalt  }
0x6a: {  	_ =	shalt  }
0x6b: {  	_ =	shalt  }
0x6c: {  	_ =	shalt  }
0x6d: {  	_ =	shalt  }
0x6e: {  	_ =	shalt  }
0x6f: {  	_ =	shalt  }
0x70: {  	_ =	shalt  }
0x71: {  	_ =	shalt  }
0x72: {  	_ =	shalt  }
0x73: {  	_ =	shalt  }
0x74: {  	_ =	shalt  }
0x75: {  	_ =	shalt  }
0x76: {  	_ =	shalt  }
0x77: {  	_ =	shalt  }
0x78: {  	_ =	shalt  }
0x79: {  	_ =	shalt  }
0x7a: {  	_ =	shalt  }
0x7b: {  	_ =	shalt  }
0x7c: {  	_ =	shalt  }
0x7d: {  	_ =	shalt  }
0x7e: {  	_ =	shalt  }
0x7f: {  	_ =	shalt  }
0x80: {  	_ =	shalt  }
0x81: {  	_ =	shalt  }
0x82: {  	_ =	shalt  }
0x83: {  	_ =	shalt  }
0x84: {  	_ =	shalt  }
0x85: {  	_ =	shalt  }
0x86: {  	_ =	shalt  }
0x87: {  	_ =	shalt  }
.Lfunc_end0:
.L_simem_size_0:
called_computation_lowered:
.L_overlay_start_0:
0x88: {  	s2 =	sld [smem:$0x3FD9]  }
0x89: {  	s3 =	sld [smem:$0x3FFE];
	_ =	sdelay $0x1  }
0x8a: {  	s1 =	srdreg.scid  }
0x8b: {  	s0 =	sand.u32 $0x1, s1  }
0x8c: {  	s16 =	sshll.u32 s0, $0xA;
	s2 =	sadd.s32 s3, s2  }
0x8d: {  	s2 =	sadd.s32 s2, s16  }
0x8e: {  	[smem:$0x3FBA] =	sst s2  }
0x8f: {  	_ = 	snop  }
0x90: {  	(tm) =	ssettm $0x1  }
0x91: {  	s17 =	sld [smem:$0x3FFB];
	_ =	sdelay $0x3  }
0x92: {  	_ =	strace s17  }
0x93: {  	s2 =	sld [smem:$0x3FFC];
	_ =	sdelay $0x3  }
0x94: {  	_ =	strace s2  }
0x95: {  	s2 =	sld [smem:$0x3FFD];
	_ =	sdelay $0x3  }
0x96: {  	_ =	strace s2  }
0x97: {  	_ =	strace $0x8FFFFFFF  }
0x98: {  	s18 =	sld [smem:$0x3FDB];
	_ =	sdelay $0x1  }
0x99: {  	s19 =	simm.s32 $_scs_section_size  }
0x9a: {  	s4 =	simm.s32 $_size__tile_overlayer_lowered;
	s5 =	simm.s32 $_tile_overlayer_lowered  }
0x9b: {  	s22 =	simm.s32 $0x1BFF;
	s21 =	sshll.u32 s5, $0x1;
	s2 =	sadd.s32 s19, s18  }
0x9c: {  	s6 =	simm.s32 $0x0;
	s20 =	sshll.u32 s4, $0x1;
	s4 =	sadd.s32 s21, s2  }
0x9d: {  	[timem:s6], [sflag:s22] =	dma.local [hbm:s4], s20  }
0x9e: {  	_ =	swait.ge [sflag:s22], s20  }
0x9f: {  	s3 =	ssub.s32 $0x0, s20;
	[sflag:s22] =	ssyncset.done $0x0  }
0xa0: {  	[sflag:s22] =	ssyncadd.s32 s3;
	_ =	sdelay $0x1  }
0xa1: {  	s23 =	simm.s32 $0x1B8B  }
0xa2: {  	_ =	swait.ge [sflag:s23], $0x1  }
0xa3: {  	[sflag:s23] =	ssyncset.done $0x0  }
0xa4: {  	s25 =	simm.s32 $0x1B8E;
	s24 =	sld [smem:$0x3FFE];
	[sflag:s23] =	ssyncadd.s32 $0xFFFFFFFF  }
0xa5: {  	s26 =	simm.s32 $execute0_lowered;
	[smem:$0x3FD2] =	sst s25  }
0xa6: {  	s4 =	sshll.u32 s26, $0x1;
	_ =	strace $0x80000046;
	[dreg:$0x1] =	wrdreg $0xFFFFFFFF  }
0xa7: {  	s28 =	simm.s32 $_size_execute0_lowered;
	s2 =	sadd.s32 s2, s4;
	[dreg:$0x0] =	wrdreg $0x0  }
0xa8: {  	s4 =	sshll.u32 s28, $0x1;
	[dreg:$0x2] =	wrdreg s2  }
0xa9: {  	[dreg:$0x3] =	wrdreg s4  }
0xaa: {  	[dreg:$0x4] =	wrdreg $0xC0  }
0xab: {  	_ =	task [dreg:s6], $0x5FFFF  }
0xac: {  	[dreg:$0x1] =	wrdreg $0xFFFFFFFF  }
0xad: {  	[dreg:$0x0] =	wrdreg $0x60  }
0xae: {  	[dreg:$0x2] =	wrdreg s24  }
0xaf: {  	[dreg:$0x3] =	wrdreg $0x50000  }
0xb0: {  	[dreg:$0x4] =	wrdreg $0x9  }
0xb1: {  	_ =	task.clear_ibuf [dreg:s6], $0x5FFFF;
	_ =	strace $0x90000046  }
0xb2: {  	s29 =	simm.s32 $0x9;
	_ =	strace $0x80000048  }
0xb3: {  	_ =	swait.ge [sflag:s29], $0x1  }
0xb4: {  	[sflag:s29] =	ssyncadd.s32 $0xFFFFFFFF  }
0xb5: {  	_ =	strace $0x90000048  }
0xb6: {  	_ =	sfence  }
0xb7: {  	s30 =	sld [smem:$0x0];
	_ =	sdelay $0x2  }
0xb8: {  	s31 =	sshll.u32 s1, $0xD;
	s1 =	sshrl.u32 s1, $0x2  }
0xb9: {  	s3 =	sand.u32 $0x4000, s31;
	s1 =	sadd.s32 s1, s30  }
0xba: {  	s0 =	sor.u32 s3, s0;
	s1 =	sshll.u32 s1, $0x11  }
0xbb: {  	s0 =	sor.u32 s1, s0  }
0xbc: {  	s0 =	sadd.s32 $0x8F2B, s0  }
0xbd: {  	[sflag:s0] =	ssyncadd.remote.s32 $0x1  }
0xbe: {  	_ =	sfence.sel $0xFFFF  }
0xbf: {  	[dreg:$0x0] =	wrdreg $0xFFFFFFFF;
	(pc) =	sbr.abs _section_cstart, $3  }
0xc0: {  	[dreg:$0x1] =	wrdreg $0xFFFFFFFF  }
0xc1: {  	_ =	task.clear_ibuf [dreg:s6], $0x2FFFF;
	_ =	strace $0x9FFFFFFF  }
0xc2: {  	(tm) =	ssettm $0x7FFFFFFF  }
0xc3: {  	_ =	shalt  }
tec
execute0_lowered:
.L_overlay_start_1:
0x0: {  	(tag) =	ssettag $0x1  }
0x1: {  	s0 =	rddreg [dreg:$0x0]  }
0x2: {  	s2 =	rddreg [dreg:$0x1]  }
0x3: {  	s30 =	simm.s32 $0x0;
	s1 =	srdreg.scid;
	s8 =	stileid.u32  }
0x4: {  	s16 =	simm.s32 $0x880;
	s18 =	simm.s32 $0x100;
	s19 =	simm.s32 $0x900  }
0x5: {  	s20 =	simm.s32 $0x180;
	s21 =	simm.s32 $0x980;
	s22 =	simm.s32 $0x200  }
0x6: {  	s31 =	simm.s32 $0x800;
	s23 =	simm.s32 $0xA00;
	[smem:$0x7FF] =	sst s30  }
0x7: {  	s24 =	simm.s32 $0x280;
	_ =	strace $0x80000047;
	[dreg:$0x7] =	wrdreg s16  }
0x8: {  	s25 =	simm.s32 $0xA80;
	s26 =	simm.s32 $0x300;
	[dreg:$0x8] =	wrdreg s18  }
0x9: {  	s29 =	simm.s32 $0xB00;
	s28 =	simm.s32 $0x380;
	[dreg:$0x9] =	wrdreg s19  }
0xa: {  	p0 =	por $0x0, $0x0;
	s3 =	sadd.s32 $0x1800, s0;
	[dreg:$0xa] =	wrdreg s20  }
0xb: {  	s1 =	sand.u32 $0x1, s1;
	s4 =	sshll.u32 s8, $0x9;
	[dreg:$0xb] =	wrdreg s21  }
0xc: {  	s6 =	sshll.u32 s8, $0xB;
	s13 =	sshll.u32 s8, $0xE;
	[dreg:$0xc] =	wrdreg s22  }
0xd: {  	s17 =	sshll.u32 s8, $0x6;
	s8 =	simm.s32 $0x1000;
	[dreg:$0xd] =	wrdreg s23  }
0xe: {  	s5 =	sshll.u32 s1, $0x8;
	s7 =	ssub.s32 $0x2, s1;
	[dreg:$0xe] =	wrdreg s24  }
0xf: {  	s9 =	sadd.s32 s6, s0;
	s1 =	sshll.u32 s1, $0xF;
	[dreg:$0xf] =	wrdreg s25  }
0x10: {  	s15 =	sadd.s32 s13, s2;
	[dreg:$0x10] =	wrdreg s26;
	s26 =	simm.s32 $0xB80  }
0x11: {  	s25 =	simm.s32 $0x400;
	s24 =	simm.s32 $0xC00;
	s23 =	simm.s32 $0x480  }
0x12: {  	s22 =	simm.s32 $0xC80;
	s21 =	simm.s32 $0x500;
	s20 =	simm.s32 $0xD00  }
0x13: {  	s19 =	simm.s32 $0x580;
	s18 =	simm.s32 $0xD80;
	s16 =	simm.s32 $0x680  }
0x14: {  	s13 =	simm.s32 $0x700;
	s4 =	sor.u32 s5, s4;
	s10 =	sshrl.u32 s7, $0x1  }
0x15: {  	s11 =	sadd.s32 $0xD800, s9;
	s1 =	sadd.s32 s1, s9;
	s5 =	sshrl.u32 s15, $0x3  }
0x16: {  	s9 =	simm.s32 $0x1;
	s15 =	simm.s32 $0xE00;
	s6 =	ssub.s32 s7, s10  }
0x17: {  	s0 =	sadd.s32 s4, s0;
	[dreg:$0x3] =	wrdreg s11;
	s10 =	smax.u32 s6, $0x1  }
0x18: {  	s14 =	sadd.s32 $0x15800, s1;
	s4 =	sor.u32 $0x1C02, s17;
	p1 =	sne.s32 s10, $0x1  }
.Ltmp0:
0x19: {  	s7 =	simm.s32 $0x80;
	[dreg:$0x6] =	wrdreg s14;
	(pc) =	sbr.rel @!p1 .LBB2_3-.Ltmp0, $4  }
0x1a: {  	s17 =	simm.s32 $0x600;
	s12 =	sadd.s32 $0x9800, s0;
	s1 =	rddreg [dreg:$0x3]  }
0x1b: {  	s11 =	simm.s32 $0x780;
	s0 =	sadd.s32 $0xB800, s0;
	[dreg:$0x4] =	wrdreg s12  }
0x1c: {  	s6 =	simm.s32 $0x2;
	s14 =	simm.s32 $0xE80;
	[dreg:$0x5] =	wrdreg s0  }
0x1d: {  	s0 =	sadd.s32 $0xFFFFFFFF, s10;
	s12 =	simm.s32 $0xF00;
	s10 =	simm.s32 $0xF80  }
0x1e: {  	[spmem:s5], [sflag:s4] =	dma.local [hbm:s1], $0x800  }
0x1f: {  	_ =	swait.ge [sflag:s6], $0x800  }
0x20: {  	[sflag:s6] =	ssyncset.done $0x0  }
0x21: {  	[sflag:s6] =	ssyncadd.s32 $0xFFFFF800  }
0x22: {  	[bflag:$0x0] =	sbarrier.arrive $0xFFFF  }
0x23: {  	s1 =	rddreg [dreg:$0x4]  }
0x24: {  	[tilespmem:s30], [sflag:$0x2] =	stream.linear.gather [hbm4b:s1+s30], $0x800, $0x38;
	[tilespmem:$0x9000] =	vst v63  }
0x25: {  	_ =	swait.ge [sflag:s6], $0x800  }
0x26: {  	[sflag:s6] =	ssyncset.done $0x0  }
0x27: {  	s1 =	rddreg [dreg:$0x5];
	[sflag:s6] =	ssyncadd.s32 $0xFFFFF800  }
0x28: {  	[tilespmem:s31], [sflag:$0x2] =	stream.linear.gather [hbm4b:s1+s30], $0x800, $0x38;
	[tilespmem:$0x9000] =	vst v63  }
0x29: {  	_ =	swait.ge [sflag:s6], $0x800  }
0x2a: {  	[sflag:s6] =	ssyncset.done $0x0  }
0x2b: {  	[sflag:s6] =	ssyncadd.s32 $0xFFFFF800  }
0x2c: {  	[tilespmem:s8], [sflag:$0x1] =	stream.indirect.gather [hbm4b:s3+s7], $0x80, s30, s7, $0xb8;
	[tilespmem:$0x9000] =	vst v63  }
0x2d: {  	_ =	swait.ge [sflag:s9], $0x4000  }
0x2e: {  	[sflag:s9] =	ssyncset.done $0x0  }
0x2f: {  	[sflag:s9] =	ssyncadd.s32 $0xFFFFC000  }
0x30: {  	[spmem:s2] =	stream.indirect.scatter.add.f32 [tilespmem:s8], [sflag:$0x2], $0x80, s31, s7, $0xb8;
	[tilespmem:$0x9000] =	vst v63  }
0x31: {  	_ =	swait.ge [sflag:s6], $0x4000  }
0x32: {  	[sflag:s6] =	ssyncset.done $0x0  }
0x33: {  	[sflag:s6] =	ssyncadd.s32 $0xFFFFC000  }
0x34: {  	[tilespmem:s8], [sflag:$0x1] =	stream.indirect.gather [hbm4b:s3+s7], $0x80, s7, s7, $0xb8;
	[tilespmem:$0x9000] =	vst v63  }
0x35: {  	_ =	swait.ge [sflag:s9], $0x4000  }
0x36: {  	[sflag:s9] =	ssyncset.done $0x0  }
0x37: {  	s1 =	rddreg [dreg:$0x7];
	[sflag:s9] =	ssyncadd.s32 $0xFFFFC000  }
0x38: {  	[spmem:s2] =	stream.indirect.scatter.add.f32 [tilespmem:s8], [sflag:$0x2], $0x80, s1, s7, $0xb8;
	[tilespmem:$0x9000] =	vst v63  }
0x39: {  	_ =	swait.ge [sflag:s6], $0x4000  }
0x3a: {  	[sflag:s6] =	ssyncset.done $0x0  }
0x3b: {  	s1 =	rddreg [dreg:$0x8];
	[sflag:s6] =	ssyncadd.s32 $0xFFFFC000  }
0x3c: {  	[tilespmem:s8], [sflag:$0x1] =	stream.indirect.gather [hbm4b:s3+s7], $0x80, s1, s7, $0xb8;
	[tilespmem:$0x9000] =	vst v63  }
0x3d: {  	_ =	swait.ge [sflag:s9], $0x4000  }
0x3e: {  	[sflag:s9] =	ssyncset.done $0x0  }
0x3f: {  	s1 =	rddreg [dreg:$0x9];
	[sflag:s9] =	ssyncadd.s32 $0xFFFFC000  }
0x40: {  	[spmem:s2] =	stream.indirect.scatter.add.f32 [tilespmem:s8], [sflag:$0x2], $0x80, s1, s7, $0xb8;
	[tilespmem:$0x9000] =	vst v63  }
0x41: {  	_ =	swait.ge [sflag:s6], $0x4000  }
0x42: {  	[sflag:s6] =	ssyncset.done $0x0  }
0x43: {  	s1 =	rddreg [dreg:$0xa];
	[sflag:s6] =	ssyncadd.s32 $0xFFFFC000  }
0x44: {  	[tilespmem:s8], [sflag:$0x1] =	stream.indirect.gather [hbm4b:s3+s7], $0x80, s1, s7, $0xb8;
	[tilespmem:$0x9000] =	vst v63  }
0x45: {  	_ =	swait.ge [sflag:s9], $0x4000  }
0x46: {  	[sflag:s9] =	ssyncset.done $0x0  }
0x47: {  	s1 =	rddreg [dreg:$0xb];
	[sflag:s9] =	ssyncadd.s32 $0xFFFFC000  }
0x48: {  	[spmem:s2] =	stream.indirect.scatter.add.f32 [tilespmem:s8], [sflag:$0x2], $0x80, s1, s7, $0xb8;
	[tilespmem:$0x9000] =	vst v63  }
0x49: {  	_ =	swait.ge [sflag:s6], $0x4000  }
0x4a: {  	[sflag:s6] =	ssyncset.done $0x0  }
0x4b: {  	s1 =	rddreg [dreg:$0xc];
	[sflag:s6] =	ssyncadd.s32 $0xFFFFC000  }
0x4c: {  	[tilespmem:s8], [sflag:$0x1] =	stream.indirect.gather [hbm4b:s3+s7], $0x80, s1, s7, $0xb8;
	[tilespmem:$0x9000] =	vst v63  }
0x4d: {  	_ =	swait.ge [sflag:s9], $0x4000  }
0x4e: {  	[sflag:s9] =	ssyncset.done $0x0  }
0x4f: {  	s1 =	rddreg [dreg:$0xd];
	[sflag:s9] =	ssyncadd.s32 $0xFFFFC000  }
0x50: {  	[spmem:s2] =	stream.indirect.scatter.add.f32 [tilespmem:s8], [sflag:$0x2], $0x80, s1, s7, $0xb8;
	[tilespmem:$0x9000] =	vst v63  }
0x51: {  	_ =	swait.ge [sflag:s6], $0x4000  }
0x52: {  	[sflag:s6] =	ssyncset.done $0x0  }
0x53: {  	s1 =	rddreg [dreg:$0xe];
	[sflag:s6] =	ssyncadd.s32 $0xFFFFC000  }
0x54: {  	[tilespmem:s8], [sflag:$0x1] =	stream.indirect.gather [hbm4b:s3+s7], $0x80, s1, s7, $0xb8;
	[tilespmem:$0x9000] =	vst v63  }
0x55: {  	_ =	swait.ge [sflag:s9], $0x4000  }
0x56: {  	[sflag:s9] =	ssyncset.done $0x0  }
0x57: {  	s1 =	rddreg [dreg:$0xf];
	[sflag:s9] =	ssyncadd.s32 $0xFFFFC000  }
0x58: {  	[spmem:s2] =	stream.indirect.scatter.add.f32 [tilespmem:s8], [sflag:$0x2], $0x80, s1, s7, $0xb8;
	[tilespmem:$0x9000] =	vst v63  }
0x59: {  	_ =	swait.ge [sflag:s6], $0x4000  }
0x5a: {  	[sflag:s6] =	ssyncset.done $0x0  }
0x5b: {  	s1 =	rddreg [dreg:$0x10];
	[sflag:s6] =	ssyncadd.s32 $0xFFFFC000  }
0x5c: {  	[tilespmem:s8], [sflag:$0x1] =	stream.indirect.gather [hbm4b:s3+s7], $0x80, s1, s7, $0xb8;
	[tilespmem:$0x9000] =	vst v63  }
0x5d: {  	_ =	swait.ge [sflag:s9], $0x4000  }
0x5e: {  	[sflag:s9] =	ssyncset.done $0x0  }
0x5f: {  	[sflag:s9] =	ssyncadd.s32 $0xFFFFC000  }
0x60: {  	[spmem:s2] =	stream.indirect.scatter.add.f32 [tilespmem:s8], [sflag:$0x2], $0x80, s29, s7, $0xb8;
	[tilespmem:$0x9000] =	vst v63  }
0x61: {  	_ =	swait.ge [sflag:s6], $0x4000  }
0x62: {  	[sflag:s6] =	ssyncset.done $0x0  }
0x63: {  	[sflag:s6] =	ssyncadd.s32 $0xFFFFC000  }
0x64: {  	[tilespmem:s8], [sflag:$0x1] =	stream.indirect.gather [hbm4b:s3+s7], $0x80, s28, s7, $0xb8;
	[tilespmem:$0x9000] =	vst v63  }
0x65: {  	_ =	swait.ge [sflag:s9], $0x4000  }
0x66: {  	[sflag:s9] =	ssyncset.done $0x0  }
0x67: {  	[sflag:s9] =	ssyncadd.s32 $0xFFFFC000  }
0x68: {  	[spmem:s2] =	stream.indirect.scatter.add.f32 [tilespmem:s8], [sflag:$0x2], $0x80, s26, s7, $0xb8;
	[tilespmem:$0x9000] =	vst v63  }
0x69: {  	_ =	swait.ge [sflag:s6], $0x4000  }
0x6a: {  	[sflag:s6] =	ssyncset.done $0x0  }
0x6b: {  	[sflag:s6] =	ssyncadd.s32 $0xFFFFC000  }
0x6c: {  	[tilespmem:s8], [sflag:$0x1] =	stream.indirect.gather [hbm4b:s3+s7], $0x80, s25, s7, $0xb8;
	[tilespmem:$0x9000] =	vst v63  }
0x6d: {  	_ =	swait.ge [sflag:s9], $0x4000  }
0x6e: {  	[sflag:s9] =	ssyncset.done $0x0  }
0x6f: {  	[sflag:s9] =	ssyncadd.s32 $0xFFFFC000  }
0x70: {  	[spmem:s2] =	stream.indirect.scatter.add.f32 [tilespmem:s8], [sflag:$0x2], $0x80, s24, s7, $0xb8;
	[tilespmem:$0x9000] =	vst v63  }
0x71: {  	_ =	swait.ge [sflag:s6], $0x4000  }
0x72: {  	[sflag:s6] =	ssyncset.done $0x0  }
0x73: {  	[sflag:s6] =	ssyncadd.s32 $0xFFFFC000  }
0x74: {  	[tilespmem:s8], [sflag:$0x1] =	stream.indirect.gather [hbm4b:s3+s7], $0x80, s23, s7, $0xb8;
	[tilespmem:$0x9000] =	vst v63  }
0x75: {  	_ =	swait.ge [sflag:s9], $0x4000  }
0x76: {  	[sflag:s9] =	ssyncset.done $0x0  }
0x77: {  	[sflag:s9] =	ssyncadd.s32 $0xFFFFC000  }
0x78: {  	[spmem:s2] =	stream.indirect.scatter.add.f32 [tilespmem:s8], [sflag:$0x2], $0x80, s22, s7, $0xb8;
	[tilespmem:$0x9000] =	vst v63  }
0x79: {  	_ =	swait.ge [sflag:s6], $0x4000  }
0x7a: {  	[sflag:s6] =	ssyncset.done $0x0  }
0x7b: {  	[sflag:s6] =	ssyncadd.s32 $0xFFFFC000  }
0x7c: {  	[tilespmem:s8], [sflag:$0x1] =	stream.indirect.gather [hbm4b:s3+s7], $0x80, s21, s7, $0xb8;
	[tilespmem:$0x9000] =	vst v63  }
0x7d: {  	_ =	swait.ge [sflag:s9], $0x4000  }
0x7e: {  	[sflag:s9] =	ssyncset.done $0x0  }
0x7f: {  	[sflag:s9] =	ssyncadd.s32 $0xFFFFC000  }
0x80: {  	[spmem:s2] =	stream.indirect.scatter.add.f32 [tilespmem:s8], [sflag:$0x2], $0x80, s20, s7, $0xb8;
	[tilespmem:$0x9000] =	vst v63  }
0x81: {  	_ =	swait.ge [sflag:s6], $0x4000  }
0x82: {  	[sflag:s6] =	ssyncset.done $0x0  }
0x83: {  	[sflag:s6] =	ssyncadd.s32 $0xFFFFC000  }
0x84: {  	[tilespmem:s8], [sflag:$0x1] =	stream.indirect.gather [hbm4b:s3+s7], $0x80, s19, s7, $0xb8;
	[tilespmem:$0x9000] =	vst v63  }
0x85: {  	_ =	swait.ge [sflag:s9], $0x4000  }
0x86: {  	[sflag:s9] =	ssyncset.done $0x0  }
0x87: {  	[sflag:s9] =	ssyncadd.s32 $0xFFFFC000  }
0x88: {  	[spmem:s2] =	stream.indirect.scatter.add.f32 [tilespmem:s8], [sflag:$0x2], $0x80, s18, s7, $0xb8;
	[tilespmem:$0x9000] =	vst v63  }
0x89: {  	_ =	swait.ge [sflag:s6], $0x4000  }
0x8a: {  	[sflag:s6] =	ssyncset.done $0x0  }
0x8b: {  	[sflag:s6] =	ssyncadd.s32 $0xFFFFC000  }
0x8c: {  	[tilespmem:s8], [sflag:$0x1] =	stream.indirect.gather [hbm4b:s3+s7], $0x80, s17, s7, $0xb8;
	[tilespmem:$0x9000] =	vst v63  }
0x8d: {  	_ =	swait.ge [sflag:s9], $0x4000  }
0x8e: {  	[sflag:s9] =	ssyncset.done $0x0  }
0x8f: {  	[sflag:s9] =	ssyncadd.s32 $0xFFFFC000  }
0x90: {  	[spmem:s2] =	stream.indirect.scatter.add.f32 [tilespmem:s8], [sflag:$0x2], $0x80, s15, s7, $0xb8;
	[tilespmem:$0x9000] =	vst v63  }
0x91: {  	_ =	swait.ge [sflag:s6], $0x4000  }
0x92: {  	[sflag:s6] =	ssyncset.done $0x0  }
0x93: {  	[sflag:s6] =	ssyncadd.s32 $0xFFFFC000  }
0x94: {  	[tilespmem:s8], [sflag:$0x1] =	stream.indirect.gather [hbm4b:s3+s7], $0x80, s16, s7, $0xb8;
	[tilespmem:$0x9000] =	vst v63  }
0x95: {  	_ =	swait.ge [sflag:s9], $0x4000  }
0x96: {  	[sflag:s9] =	ssyncset.done $0x0  }
0x97: {  	[sflag:s9] =	ssyncadd.s32 $0xFFFFC000  }
0x98: {  	[spmem:s2] =	stream.indirect.scatter.add.f32 [tilespmem:s8], [sflag:$0x2], $0x80, s14, s7, $0xb8;
	[tilespmem:$0x9000] =	vst v63  }
0x99: {  	_ =	swait.ge [sflag:s6], $0x4000  }
0x9a: {  	[sflag:s6] =	ssyncset.done $0x0  }
0x9b: {  	[sflag:s6] =	ssyncadd.s32 $0xFFFFC000  }
0x9c: {  	[tilespmem:s8], [sflag:$0x1] =	stream.indirect.gather [hbm4b:s3+s7], $0x80, s13, s7, $0xb8;
	[tilespmem:$0x9000] =	vst v63  }
0x9d: {  	_ =	swait.ge [sflag:s9], $0x4000  }
0x9e: {  	[sflag:s9] =	ssyncset.done $0x0  }
0x9f: {  	[sflag:s9] =	ssyncadd.s32 $0xFFFFC000  }
0xa0: {  	[spmem:s2] =	stream.indirect.scatter.add.f32 [tilespmem:s8], [sflag:$0x2], $0x80, s12, s7, $0xb8;
	[tilespmem:$0x9000] =	vst v63  }
0xa1: {  	_ =	swait.ge [sflag:s6], $0x4000  }
0xa2: {  	[sflag:s6] =	ssyncset.done $0x0  }
0xa3: {  	[sflag:s6] =	ssyncadd.s32 $0xFFFFC000  }
0xa4: {  	[tilespmem:s8], [sflag:$0x1] =	stream.indirect.gather [hbm4b:s3+s7], $0x80, s11, s7, $0xb8;
	[tilespmem:$0x9000] =	vst v63  }
0xa5: {  	_ =	swait.ge [sflag:s9], $0x4000  }
0xa6: {  	[sflag:s9] =	ssyncset.done $0x0  }
0xa7: {  	[sflag:s9] =	ssyncadd.s32 $0xFFFFC000  }
0xa8: {  	[spmem:s2] =	stream.indirect.scatter.add.f32 [tilespmem:s8], [sflag:$0x2], $0x80, s10, s7, $0xb8;
	[tilespmem:$0x9000] =	vst v63  }
0xa9: {  	_ =	swait.ge [sflag:s6], $0x4000  }
0xaa: {  	[sflag:s6] =	ssyncset.done $0x0  }
0xab: {  	p1 =	sne.s32 s0, $0x1;
	[sflag:s6] =	ssyncadd.s32 $0xFFFFC000  }
.Ltmp1:
0xac: {  	[bflag:$0x0] =	sbarrier.arrive $0xFFFF;
	(pc) =	sbr.rel @!p1 .LBB2_3-.Ltmp1, $4  }
0xad: {  	s1 =	rddreg [dreg:$0x6]  }
0xae: {  	[hbm:s1], [sflag:s4] =	dma.local [spmem:s5], $0x800  }
0xaf: {  	s0 =	sadd.s32 $0xFFFFFFFF, s0;
	_ =	swait.ge [sflag:s6], $0x800  }
0xb0: {  	p0 =	por $0x1, $0x1;
	s1 =	rddreg [dreg:$0x3];
	[sflag:s6] =	ssyncset.done $0x0  }
.LBB2_2:
0xb1: {  	[sflag:s6] =	ssyncadd.s32 $0xFFFFF800  }
0xb2: {  	[spmem:s5], [sflag:s4] =	dma.local [hbm:s1], $0x800  }
0xb3: {  	_ =	swait.ge [sflag:s6], $0x800  }
0xb4: {  	[sflag:s6] =	ssyncset.done $0x0  }
0xb5: {  	[sflag:s6] =	ssyncadd.s32 $0xFFFFF800  }
0xb6: {  	[bflag:$0x0] =	sbarrier.arrive $0xFFFF  }
0xb7: {  	s1 =	rddreg [dreg:$0x4]  }
0xb8: {  	[tilespmem:s30], [sflag:$0x2] =	stream.linear.gather [hbm4b:s1+s30], $0x800, $0x38;
	[tilespmem:$0x9000] =	vst v63  }
0xb9: {  	_ =	swait.ge [sflag:s6], $0x800  }
0xba: {  	[sflag:s6] =	ssyncset.done $0x0  }
0xbb: {  	s1 =	rddreg [dreg:$0x5];
	[sflag:s6] =	ssyncadd.s32 $0xFFFFF800  }
0xbc: {  	[tilespmem:s31], [sflag:$0x2] =	stream.linear.gather [hbm4b:s1+s30], $0x800, $0x38;
	[tilespmem:$0x9000] =	vst v63  }
0xbd: {  	_ =	swait.ge [sflag:s6], $0x800  }
0xbe: {  	[sflag:s6] =	ssyncset.done $0x0  }
0xbf: {  	[sflag:s6] =	ssyncadd.s32 $0xFFFFF800  }
0xc0: {  	[tilespmem:s8], [sflag:$0x1] =	stream.indirect.gather [hbm4b:s3+s7], $0x80, s30, s7, $0xb8;
	[tilespmem:$0x9000] =	vst v63  }
0xc1: {  	_ =	swait.ge [sflag:s9], $0x4000  }
0xc2: {  	[sflag:s9] =	ssyncset.done $0x0  }
0xc3: {  	[sflag:s9] =	ssyncadd.s32 $0xFFFFC000  }
0xc4: {  	[spmem:s2] =	stream.indirect.scatter.add.f32 [tilespmem:s8], [sflag:$0x2], $0x80, s31, s7, $0xb8;
	[tilespmem:$0x9000] =	vst v63  }
0xc5: {  	_ =	swait.ge [sflag:s6], $0x4000  }
0xc6: {  	[sflag:s6] =	ssyncset.done $0x0  }
0xc7: {  	[sflag:s6] =	ssyncadd.s32 $0xFFFFC000  }
0xc8: {  	[tilespmem:s8], [sflag:$0x1] =	stream.indirect.gather [hbm4b:s3+s7], $0x80, s7, s7, $0xb8;
	[tilespmem:$0x9000] =	vst v63  }
0xc9: {  	_ =	swait.ge [sflag:s9], $0x4000  }
0xca: {  	[sflag:s9] =	ssyncset.done $0x0  }
0xcb: {  	s1 =	rddreg [dreg:$0x7];
	[sflag:s9] =	ssyncadd.s32 $0xFFFFC000  }
0xcc: {  	[spmem:s2] =	stream.indirect.scatter.add.f32 [tilespmem:s8], [sflag:$0x2], $0x80, s1, s7, $0xb8;
	[tilespmem:$0x9000] =	vst v63  }
0xcd: {  	_ =	swait.ge [sflag:s6], $0x4000  }
0xce: {  	[sflag:s6] =	ssyncset.done $0x0  }
0xcf: {  	s1 =	rddreg [dreg:$0x8];
	[sflag:s6] =	ssyncadd.s32 $0xFFFFC000  }
0xd0: {  	[tilespmem:s8], [sflag:$0x1] =	stream.indirect.gather [hbm4b:s3+s7], $0x80, s1, s7, $0xb8;
	[tilespmem:$0x9000] =	vst v63  }
0xd1: {  	_ =	swait.ge [sflag:s9], $0x4000  }
0xd2: {  	[sflag:s9] =	ssyncset.done $0x0  }
0xd3: {  	s1 =	rddreg [dreg:$0x9];
	[sflag:s9] =	ssyncadd.s32 $0xFFFFC000  }
0xd4: {  	[spmem:s2] =	stream.indirect.scatter.add.f32 [tilespmem:s8], [sflag:$0x2], $0x80, s1, s7, $0xb8;
	[tilespmem:$0x9000] =	vst v63  }
0xd5: {  	_ =	swait.ge [sflag:s6], $0x4000  }
0xd6: {  	[sflag:s6] =	ssyncset.done $0x0  }
0xd7: {  	s1 =	rddreg [dreg:$0xa];
	[sflag:s6] =	ssyncadd.s32 $0xFFFFC000  }
0xd8: {  	[tilespmem:s8], [sflag:$0x1] =	stream.indirect.gather [hbm4b:s3+s7], $0x80, s1, s7, $0xb8;
	[tilespmem:$0x9000] =	vst v63  }
0xd9: {  	_ =	swait.ge [sflag:s9], $0x4000  }
0xda: {  	[sflag:s9] =	ssyncset.done $0x0  }
0xdb: {  	s1 =	rddreg [dreg:$0xb];
	[sflag:s9] =	ssyncadd.s32 $0xFFFFC000  }
0xdc: {  	[spmem:s2] =	stream.indirect.scatter.add.f32 [tilespmem:s8], [sflag:$0x2], $0x80, s1, s7, $0xb8;
	[tilespmem:$0x9000] =	vst v63  }
0xdd: {  	_ =	swait.ge [sflag:s6], $0x4000  }
0xde: {  	[sflag:s6] =	ssyncset.done $0x0  }
0xdf: {  	s1 =	rddreg [dreg:$0xc];
	[sflag:s6] =	ssyncadd.s32 $0xFFFFC000  }
0xe0: {  	[tilespmem:s8], [sflag:$0x1] =	stream.indirect.gather [hbm4b:s3+s7], $0x80, s1, s7, $0xb8;
	[tilespmem:$0x9000] =	vst v63  }
0xe1: {  	_ =	swait.ge [sflag:s9], $0x4000  }
0xe2: {  	[sflag:s9] =	ssyncset.done $0x0  }
0xe3: {  	s1 =	rddreg [dreg:$0xd];
	[sflag:s9] =	ssyncadd.s32 $0xFFFFC000  }
0xe4: {  	[spmem:s2] =	stream.indirect.scatter.add.f32 [tilespmem:s8], [sflag:$0x2], $0x80, s1, s7, $0xb8;
	[tilespmem:$0x9000] =	vst v63  }
0xe5: {  	_ =	swait.ge [sflag:s6], $0x4000  }
0xe6: {  	[sflag:s6] =	ssyncset.done $0x0  }
0xe7: {  	s1 =	rddreg [dreg:$0xe];
	[sflag:s6] =	ssyncadd.s32 $0xFFFFC000  }
0xe8: {  	[tilespmem:s8], [sflag:$0x1] =	stream.indirect.gather [hbm4b:s3+s7], $0x80, s1, s7, $0xb8;
	[tilespmem:$0x9000] =	vst v63  }
0xe9: {  	_ =	swait.ge [sflag:s9], $0x4000  }
0xea: {  	[sflag:s9] =	ssyncset.done $0x0  }
0xeb: {  	s1 =	rddreg [dreg:$0xf];
	[sflag:s9] =	ssyncadd.s32 $0xFFFFC000  }
0xec: {  	[spmem:s2] =	stream.indirect.scatter.add.f32 [tilespmem:s8], [sflag:$0x2], $0x80, s1, s7, $0xb8;
	[tilespmem:$0x9000] =	vst v63  }
0xed: {  	_ =	swait.ge [sflag:s6], $0x4000  }
0xee: {  	[sflag:s6] =	ssyncset.done $0x0  }
0xef: {  	s1 =	rddreg [dreg:$0x10];
	[sflag:s6] =	ssyncadd.s32 $0xFFFFC000  }
0xf0: {  	[tilespmem:s8], [sflag:$0x1] =	stream.indirect.gather [hbm4b:s3+s7], $0x80, s1, s7, $0xb8;
	[tilespmem:$0x9000] =	vst v63  }
0xf1: {  	_ =	swait.ge [sflag:s9], $0x4000  }
0xf2: {  	[sflag:s9] =	ssyncset.done $0x0  }
0xf3: {  	[sflag:s9] =	ssyncadd.s32 $0xFFFFC000  }
0xf4: {  	[spmem:s2] =	stream.indirect.scatter.add.f32 [tilespmem:s8], [sflag:$0x2], $0x80, s29, s7, $0xb8;
	[tilespmem:$0x9000] =	vst v63  }
0xf5: {  	_ =	swait.ge [sflag:s6], $0x4000  }
0xf6: {  	[sflag:s6] =	ssyncset.done $0x0  }
0xf7: {  	[sflag:s6] =	ssyncadd.s32 $0xFFFFC000  }
0xf8: {  	[tilespmem:s8], [sflag:$0x1] =	stream.indirect.gather [hbm4b:s3+s7], $0x80, s28, s7, $0xb8;
	[tilespmem:$0x9000] =	vst v63  }
0xf9: {  	_ =	swait.ge [sflag:s9], $0x4000  }
0xfa: {  	[sflag:s9] =	ssyncset.done $0x0  }
0xfb: {  	[sflag:s9] =	ssyncadd.s32 $0xFFFFC000  }
0xfc: {  	[spmem:s2] =	stream.indirect.scatter.add.f32 [tilespmem:s8], [sflag:$0x2], $0x80, s26, s7, $0xb8;
	[tilespmem:$0x9000] =	vst v63  }
0xfd: {  	_ =	swait.ge [sflag:s6], $0x4000  }
0xfe: {  	[sflag:s6] =	ssyncset.done $0x0  }
0xff: {  	[sflag:s6] =	ssyncadd.s32 $0xFFFFC000  }
0x100: {  	[tilespmem:s8], [sflag:$0x1] =	stream.indirect.gather [hbm4b:s3+s7], $0x80, s25, s7, $0xb8;
	[tilespmem:$0x9000] =	vst v63  }
0x101: {  	_ =	swait.ge [sflag:s9], $0x4000  }
0x102: {  	[sflag:s9] =	ssyncset.done $0x0  }
0x103: {  	[sflag:s9] =	ssyncadd.s32 $0xFFFFC000  }
0x104: {  	[spmem:s2] =	stream.indirect.scatter.add.f32 [tilespmem:s8], [sflag:$0x2], $0x80, s24, s7, $0xb8;
	[tilespmem:$0x9000] =	vst v63  }
0x105: {  	_ =	swait.ge [sflag:s6], $0x4000  }
0x106: {  	[sflag:s6] =	ssyncset.done $0x0  }
0x107: {  	[sflag:s6] =	ssyncadd.s32 $0xFFFFC000  }
0x108: {  	[tilespmem:s8], [sflag:$0x1] =	stream.indirect.gather [hbm4b:s3+s7], $0x80, s23, s7, $0xb8;
	[tilespmem:$0x9000] =	vst v63  }
0x109: {  	_ =	swait.ge [sflag:s9], $0x4000  }
0x10a: {  	[sflag:s9] =	ssyncset.done $0x0  }
0x10b: {  	[sflag:s9] =	ssyncadd.s32 $0xFFFFC000  }
0x10c: {  	[spmem:s2] =	stream.indirect.scatter.add.f32 [tilespmem:s8], [sflag:$0x2], $0x80, s22, s7, $0xb8;
	[tilespmem:$0x9000] =	vst v63  }
0x10d: {  	_ =	swait.ge [sflag:s6], $0x4000  }
0x10e: {  	[sflag:s6] =	ssyncset.done $0x0  }
0x10f: {  	[sflag:s6] =	ssyncadd.s32 $0xFFFFC000  }
0x110: {  	[tilespmem:s8], [sflag:$0x1] =	stream.indirect.gather [hbm4b:s3+s7], $0x80, s21, s7, $0xb8;
	[tilespmem:$0x9000] =	vst v63  }
0x111: {  	_ =	swait.ge [sflag:s9], $0x4000  }
0x112: {  	[sflag:s9] =	ssyncset.done $0x0  }
0x113: {  	[sflag:s9] =	ssyncadd.s32 $0xFFFFC000  }
0x114: {  	[spmem:s2] =	stream.indirect.scatter.add.f32 [tilespmem:s8], [sflag:$0x2], $0x80, s20, s7, $0xb8;
	[tilespmem:$0x9000] =	vst v63  }
0x115: {  	_ =	swait.ge [sflag:s6], $0x4000  }
0x116: {  	[sflag:s6] =	ssyncset.done $0x0  }
0x117: {  	[sflag:s6] =	ssyncadd.s32 $0xFFFFC000  }
0x118: {  	[tilespmem:s8], [sflag:$0x1] =	stream.indirect.gather [hbm4b:s3+s7], $0x80, s19, s7, $0xb8;
	[tilespmem:$0x9000] =	vst v63  }
0x119: {  	_ =	swait.ge [sflag:s9], $0x4000  }
0x11a: {  	[sflag:s9] =	ssyncset.done $0x0  }
0x11b: {  	[sflag:s9] =	ssyncadd.s32 $0xFFFFC000  }
0x11c: {  	[spmem:s2] =	stream.indirect.scatter.add.f32 [tilespmem:s8], [sflag:$0x2], $0x80, s18, s7, $0xb8;
	[tilespmem:$0x9000] =	vst v63  }
0x11d: {  	_ =	swait.ge [sflag:s6], $0x4000  }
0x11e: {  	[sflag:s6] =	ssyncset.done $0x0  }
0x11f: {  	[sflag:s6] =	ssyncadd.s32 $0xFFFFC000  }
0x120: {  	[tilespmem:s8], [sflag:$0x1] =	stream.indirect.gather [hbm4b:s3+s7], $0x80, s17, s7, $0xb8;
	[tilespmem:$0x9000] =	vst v63  }
0x121: {  	_ =	swait.ge [sflag:s9], $0x4000  }
0x122: {  	[sflag:s9] =	ssyncset.done $0x0  }
0x123: {  	[sflag:s9] =	ssyncadd.s32 $0xFFFFC000  }
0x124: {  	[spmem:s2] =	stream.indirect.scatter.add.f32 [tilespmem:s8], [sflag:$0x2], $0x80, s15, s7, $0xb8;
	[tilespmem:$0x9000] =	vst v63  }
0x125: {  	_ =	swait.ge [sflag:s6], $0x4000  }
0x126: {  	[sflag:s6] =	ssyncset.done $0x0  }
0x127: {  	[sflag:s6] =	ssyncadd.s32 $0xFFFFC000  }
0x128: {  	[tilespmem:s8], [sflag:$0x1] =	stream.indirect.gather [hbm4b:s3+s7], $0x80, s16, s7, $0xb8;
	[tilespmem:$0x9000] =	vst v63  }
0x129: {  	_ =	swait.ge [sflag:s9], $0x4000  }
0x12a: {  	[sflag:s9] =	ssyncset.done $0x0  }
0x12b: {  	[sflag:s9] =	ssyncadd.s32 $0xFFFFC000  }
0x12c: {  	[spmem:s2] =	stream.indirect.scatter.add.f32 [tilespmem:s8], [sflag:$0x2], $0x80, s14, s7, $0xb8;
	[tilespmem:$0x9000] =	vst v63  }
0x12d: {  	_ =	swait.ge [sflag:s6], $0x4000  }
0x12e: {  	[sflag:s6] =	ssyncset.done $0x0  }
0x12f: {  	[sflag:s6] =	ssyncadd.s32 $0xFFFFC000  }
0x130: {  	[tilespmem:s8], [sflag:$0x1] =	stream.indirect.gather [hbm4b:s3+s7], $0x80, s13, s7, $0xb8;
	[tilespmem:$0x9000] =	vst v63  }
0x131: {  	_ =	swait.ge [sflag:s9], $0x4000  }
0x132: {  	[sflag:s9] =	ssyncset.done $0x0  }
0x133: {  	[sflag:s9] =	ssyncadd.s32 $0xFFFFC000  }
0x134: {  	[spmem:s2] =	stream.indirect.scatter.add.f32 [tilespmem:s8], [sflag:$0x2], $0x80, s12, s7, $0xb8;
	[tilespmem:$0x9000] =	vst v63  }
0x135: {  	_ =	swait.ge [sflag:s6], $0x4000  }
0x136: {  	[sflag:s6] =	ssyncset.done $0x0  }
0x137: {  	[sflag:s6] =	ssyncadd.s32 $0xFFFFC000  }
0x138: {  	[tilespmem:s8], [sflag:$0x1] =	stream.indirect.gather [hbm4b:s3+s7], $0x80, s11, s7, $0xb8;
	[tilespmem:$0x9000] =	vst v63  }
0x139: {  	_ =	swait.ge [sflag:s9], $0x4000  }
0x13a: {  	[sflag:s9] =	ssyncset.done $0x0  }
0x13b: {  	[sflag:s9] =	ssyncadd.s32 $0xFFFFC000  }
0x13c: {  	[spmem:s2] =	stream.indirect.scatter.add.f32 [tilespmem:s8], [sflag:$0x2], $0x80, s10, s7, $0xb8;
	[tilespmem:$0x9000] =	vst v63  }
0x13d: {  	_ =	swait.ge [sflag:s6], $0x4000  }
0x13e: {  	[sflag:s6] =	ssyncset.done $0x0  }
0x13f: {  	p1 =	sne.s32 s0, $0x1;
	[sflag:s6] =	ssyncadd.s32 $0xFFFFC000  }
.Ltmp2:
0x140: {  	[bflag:$0x0] =	sbarrier.arrive $0xFFFF;
	(pc) =	sbr.rel @p1 .LBB2_2-.Ltmp2, $4  }
0x141: {  	s1 =	rddreg [dreg:$0x6]  }
0x142: {  	[hbm:s1], [sflag:s4] =	dma.local [spmem:s5], $0x800  }
0x143: {  	_ =	swait.ge [sflag:s6], $0x800  }
0x144: {  	s0 =	sadd.s32 $0xFFFFFFFF, s0;
	s1 =	rddreg [dreg:$0x3];
	[sflag:s6] =	ssyncset.done $0x0  }
.LBB2_3:
0x145: {  	[sflag:s6] =	ssyncadd.s32 @p0 $0xFFFFF800  }
0x146: {  	[spmem:s5], [sflag:s4] =	dma.local [hbm:s1], $0x800  }
0x147: {  	_ =	swait.ge [sflag:s6], $0x800  }
0x148: {  	[sflag:s6] =	ssyncset.done $0x0  }
0x149: {  	[sflag:s6] =	ssyncadd.s32 $0xFFFFF800  }
0x14a: {  	[bflag:$0x0] =	sbarrier.arrive $0xFFFF  }
0x14b: {  	s0 =	rddreg [dreg:$0x4]  }
0x14c: {  	[tilespmem:s30], [sflag:$0x2] =	stream.linear.gather [hbm4b:s0+s30], $0x800, $0x38;
	[tilespmem:$0x9000] =	vst v63  }
0x14d: {  	_ =	swait.ge [sflag:s6], $0x800  }
0x14e: {  	[sflag:s6] =	ssyncset.done $0x0  }
0x14f: {  	s1 =	rddreg [dreg:$0x5];
	[sflag:s6] =	ssyncadd.s32 $0xFFFFF800  }
0x150: {  	[tilespmem:s31], [sflag:$0x2] =	stream.linear.gather [hbm4b:s1+s30], $0x800, $0x38;
	[tilespmem:$0x9000] =	vst v63  }
0x151: {  	_ =	swait.ge [sflag:s6], $0x800  }
0x152: {  	[sflag:s6] =	ssyncset.done $0x0  }
0x153: {  	[sflag:s6] =	ssyncadd.s32 $0xFFFFF800  }
0x154: {  	[tilespmem:s8], [sflag:$0x1] =	stream.indirect.gather [hbm4b:s3+s7], $0x80, s30, s7, $0xb8;
	[tilespmem:$0x9000] =	vst v63  }
0x155: {  	_ =	swait.ge [sflag:s9], $0x4000  }
0x156: {  	[sflag:s9] =	ssyncset.done $0x0  }
0x157: {  	[sflag:s9] =	ssyncadd.s32 $0xFFFFC000  }
0x158: {  	[spmem:s2] =	stream.indirect.scatter.add.f32 [tilespmem:s8], [sflag:$0x2], $0x80, s31, s7, $0xb8;
	[tilespmem:$0x9000] =	vst v63  }
0x159: {  	_ =	swait.ge [sflag:s6], $0x4000  }
0x15a: {  	[sflag:s6] =	ssyncset.done $0x0  }
0x15b: {  	[sflag:s6] =	ssyncadd.s32 $0xFFFFC000  }
0x15c: {  	[tilespmem:s8], [sflag:$0x1] =	stream.indirect.gather [hbm4b:s3+s7], $0x80, s7, s7, $0xb8;
	[tilespmem:$0x9000] =	vst v63  }
0x15d: {  	_ =	swait.ge [sflag:s9], $0x4000  }
0x15e: {  	[sflag:s9] =	ssyncset.done $0x0  }
0x15f: {  	s1 =	rddreg [dreg:$0x7];
	[sflag:s9] =	ssyncadd.s32 $0xFFFFC000  }
0x160: {  	[spmem:s2] =	stream.indirect.scatter.add.f32 [tilespmem:s8], [sflag:$0x2], $0x80, s1, s7, $0xb8;
	[tilespmem:$0x9000] =	vst v63  }
0x161: {  	_ =	swait.ge [sflag:s6], $0x4000  }
0x162: {  	[sflag:s6] =	ssyncset.done $0x0  }
0x163: {  	s30 =	rddreg [dreg:$0x8];
	[sflag:s6] =	ssyncadd.s32 $0xFFFFC000  }
0x164: {  	[tilespmem:s8], [sflag:$0x1] =	stream.indirect.gather [hbm4b:s3+s7], $0x80, s30, s7, $0xb8;
	[tilespmem:$0x9000] =	vst v63  }
0x165: {  	_ =	swait.ge [sflag:s9], $0x4000  }
0x166: {  	[sflag:s9] =	ssyncset.done $0x0  }
0x167: {  	s31 =	rddreg [dreg:$0x9];
	[sflag:s9] =	ssyncadd.s32 $0xFFFFC000  }
0x168: {  	[spmem:s2] =	stream.indirect.scatter.add.f32 [tilespmem:s8], [sflag:$0x2], $0x80, s31, s7, $0xb8;
	[tilespmem:$0x9000] =	vst v63  }
0x169: {  	_ =	swait.ge [sflag:s6], $0x4000  }
0x16a: {  	[sflag:s6] =	ssyncset.done $0x0  }
0x16b: {  	s1 =	rddreg [dreg:$0xa];
	[sflag:s6] =	ssyncadd.s32 $0xFFFFC000  }
0x16c: {  	[tilespmem:s8], [sflag:$0x1] =	stream.indirect.gather [hbm4b:s3+s7], $0x80, s1, s7, $0xb8;
	[tilespmem:$0x9000] =	vst v63  }
0x16d: {  	_ =	swait.ge [sflag:s9], $0x4000  }
0x16e: {  	[sflag:s9] =	ssyncset.done $0x0  }
0x16f: {  	s30 =	rddreg [dreg:$0xb];
	[sflag:s9] =	ssyncadd.s32 $0xFFFFC000  }
0x170: {  	[spmem:s2] =	stream.indirect.scatter.add.f32 [tilespmem:s8], [sflag:$0x2], $0x80, s30, s7, $0xb8;
	[tilespmem:$0x9000] =	vst v63  }
0x171: {  	_ =	swait.ge [sflag:s6], $0x4000  }
0x172: {  	[sflag:s6] =	ssyncset.done $0x0  }
0x173: {  	s31 =	rddreg [dreg:$0xc];
	[sflag:s6] =	ssyncadd.s32 $0xFFFFC000  }
0x174: {  	[tilespmem:s8], [sflag:$0x1] =	stream.indirect.gather [hbm4b:s3+s7], $0x80, s31, s7, $0xb8;
	[tilespmem:$0x9000] =	vst v63  }
0x175: {  	_ =	swait.ge [sflag:s9], $0x4000  }
0x176: {  	[sflag:s9] =	ssyncset.done $0x0  }
0x177: {  	s1 =	rddreg [dreg:$0xd];
	[sflag:s9] =	ssyncadd.s32 $0xFFFFC000  }
0x178: {  	[spmem:s2] =	stream.indirect.scatter.add.f32 [tilespmem:s8], [sflag:$0x2], $0x80, s1, s7, $0xb8;
	[tilespmem:$0x9000] =	vst v63  }
0x179: {  	_ =	swait.ge [sflag:s6], $0x4000  }
0x17a: {  	[sflag:s6] =	ssyncset.done $0x0  }
0x17b: {  	s30 =	rddreg [dreg:$0xe];
	[sflag:s6] =	ssyncadd.s32 $0xFFFFC000  }
0x17c: {  	[tilespmem:s8], [sflag:$0x1] =	stream.indirect.gather [hbm4b:s3+s7], $0x80, s30, s7, $0xb8;
	[tilespmem:$0x9000] =	vst v63  }
0x17d: {  	_ =	swait.ge [sflag:s9], $0x4000  }
0x17e: {  	[sflag:s9] =	ssyncset.done $0x0  }
0x17f: {  	s31 =	rddreg [dreg:$0xf];
	[sflag:s9] =	ssyncadd.s32 $0xFFFFC000  }
0x180: {  	[spmem:s2] =	stream.indirect.scatter.add.f32 [tilespmem:s8], [sflag:$0x2], $0x80, s31, s7, $0xb8;
	[tilespmem:$0x9000] =	vst v63  }
0x181: {  	_ =	swait.ge [sflag:s6], $0x4000  }
0x182: {  	[sflag:s6] =	ssyncset.done $0x0  }
0x183: {  	s1 =	rddreg [dreg:$0x10];
	[sflag:s6] =	ssyncadd.s32 $0xFFFFC000  }
0x184: {  	[tilespmem:s8], [sflag:$0x1] =	stream.indirect.gather [hbm4b:s3+s7], $0x80, s1, s7, $0xb8;
	[tilespmem:$0x9000] =	vst v63  }
0x185: {  	_ =	swait.ge [sflag:s9], $0x4000  }
0x186: {  	[sflag:s9] =	ssyncset.done $0x0  }
0x187: {  	[sflag:s9] =	ssyncadd.s32 $0xFFFFC000  }
0x188: {  	[spmem:s2] =	stream.indirect.scatter.add.f32 [tilespmem:s8], [sflag:$0x2], $0x80, s29, s7, $0xb8;
	[tilespmem:$0x9000] =	vst v63  }
0x189: {  	_ =	swait.ge [sflag:s6], $0x4000  }
0x18a: {  	[sflag:s6] =	ssyncset.done $0x0  }
0x18b: {  	[sflag:s6] =	ssyncadd.s32 $0xFFFFC000  }
0x18c: {  	[tilespmem:s8], [sflag:$0x1] =	stream.indirect.gather [hbm4b:s3+s7], $0x80, s28, s7, $0xb8;
	[tilespmem:$0x9000] =	vst v63  }
0x18d: {  	_ =	swait.ge [sflag:s9], $0x4000  }
0x18e: {  	[sflag:s9] =	ssyncset.done $0x0  }
0x18f: {  	[sflag:s9] =	ssyncadd.s32 $0xFFFFC000  }
0x190: {  	[spmem:s2] =	stream.indirect.scatter.add.f32 [tilespmem:s8], [sflag:$0x2], $0x80, s26, s7, $0xb8;
	[tilespmem:$0x9000] =	vst v63  }
0x191: {  	_ =	swait.ge [sflag:s6], $0x4000  }
0x192: {  	[sflag:s6] =	ssyncset.done $0x0  }
0x193: {  	[sflag:s6] =	ssyncadd.s32 $0xFFFFC000  }
0x194: {  	[tilespmem:s8], [sflag:$0x1] =	stream.indirect.gather [hbm4b:s3+s7], $0x80, s25, s7, $0xb8;
	[tilespmem:$0x9000] =	vst v63  }
0x195: {  	_ =	swait.ge [sflag:s9], $0x4000  }
0x196: {  	[sflag:s9] =	ssyncset.done $0x0  }
0x197: {  	[sflag:s9] =	ssyncadd.s32 $0xFFFFC000  }
0x198: {  	[spmem:s2] =	stream.indirect.scatter.add.f32 [tilespmem:s8], [sflag:$0x2], $0x80, s24, s7, $0xb8;
	[tilespmem:$0x9000] =	vst v63  }
0x199: {  	_ =	swait.ge [sflag:s6], $0x4000  }
0x19a: {  	[sflag:s6] =	ssyncset.done $0x0  }
0x19b: {  	[sflag:s6] =	ssyncadd.s32 $0xFFFFC000  }
0x19c: {  	[tilespmem:s8], [sflag:$0x1] =	stream.indirect.gather [hbm4b:s3+s7], $0x80, s23, s7, $0xb8;
	[tilespmem:$0x9000] =	vst v63  }
0x19d: {  	_ =	swait.ge [sflag:s9], $0x4000  }
0x19e: {  	[sflag:s9] =	ssyncset.done $0x0  }
0x19f: {  	[sflag:s9] =	ssyncadd.s32 $0xFFFFC000  }
0x1a0: {  	[spmem:s2] =	stream.indirect.scatter.add.f32 [tilespmem:s8], [sflag:$0x2], $0x80, s22, s7, $0xb8;
	[tilespmem:$0x9000] =	vst v63  }
0x1a1: {  	_ =	swait.ge [sflag:s6], $0x4000  }
0x1a2: {  	[sflag:s6] =	ssyncset.done $0x0  }
0x1a3: {  	[sflag:s6] =	ssyncadd.s32 $0xFFFFC000  }
0x1a4: {  	[tilespmem:s8], [sflag:$0x1] =	stream.indirect.gather [hbm4b:s3+s7], $0x80, s21, s7, $0xb8;
	[tilespmem:$0x9000] =	vst v63  }
0x1a5: {  	_ =	swait.ge [sflag:s9], $0x4000  }
0x1a6: {  	[sflag:s9] =	ssyncset.done $0x0  }
0x1a7: {  	[sflag:s9] =	ssyncadd.s32 $0xFFFFC000  }
0x1a8: {  	[spmem:s2] =	stream.indirect.scatter.add.f32 [tilespmem:s8], [sflag:$0x2], $0x80, s20, s7, $0xb8;
	[tilespmem:$0x9000] =	vst v63  }
0x1a9: {  	_ =	swait.ge [sflag:s6], $0x4000  }
0x1aa: {  	[sflag:s6] =	ssyncset.done $0x0  }
0x1ab: {  	[sflag:s6] =	ssyncadd.s32 $0xFFFFC000  }
0x1ac: {  	[tilespmem:s8], [sflag:$0x1] =	stream.indirect.gather [hbm4b:s3+s7], $0x80, s19, s7, $0xb8;
	[tilespmem:$0x9000] =	vst v63  }
0x1ad: {  	_ =	swait.ge [sflag:s9], $0x4000  }
0x1ae: {  	[sflag:s9] =	ssyncset.done $0x0  }
0x1af: {  	[sflag:s9] =	ssyncadd.s32 $0xFFFFC000  }
0x1b0: {  	[spmem:s2] =	stream.indirect.scatter.add.f32 [tilespmem:s8], [sflag:$0x2], $0x80, s18, s7, $0xb8;
	[tilespmem:$0x9000] =	vst v63  }
0x1b1: {  	_ =	swait.ge [sflag:s6], $0x4000  }
0x1b2: {  	[sflag:s6] =	ssyncset.done $0x0  }
0x1b3: {  	[sflag:s6] =	ssyncadd.s32 $0xFFFFC000  }
0x1b4: {  	[tilespmem:s8], [sflag:$0x1] =	stream.indirect.gather [hbm4b:s3+s7], $0x80, s17, s7, $0xb8;
	[tilespmem:$0x9000] =	vst v63  }
0x1b5: {  	_ =	swait.ge [sflag:s9], $0x4000  }
0x1b6: {  	[sflag:s9] =	ssyncset.done $0x0  }
0x1b7: {  	[sflag:s9] =	ssyncadd.s32 $0xFFFFC000  }
0x1b8: {  	[spmem:s2] =	stream.indirect.scatter.add.f32 [tilespmem:s8], [sflag:$0x2], $0x80, s15, s7, $0xb8;
	[tilespmem:$0x9000] =	vst v63  }
0x1b9: {  	_ =	swait.ge [sflag:s6], $0x4000  }
0x1ba: {  	[sflag:s6] =	ssyncset.done $0x0  }
0x1bb: {  	[sflag:s6] =	ssyncadd.s32 $0xFFFFC000  }
0x1bc: {  	[tilespmem:s8], [sflag:$0x1] =	stream.indirect.gather [hbm4b:s3+s7], $0x80, s16, s7, $0xb8;
	[tilespmem:$0x9000] =	vst v63  }
0x1bd: {  	_ =	swait.ge [sflag:s9], $0x4000  }
0x1be: {  	[sflag:s9] =	ssyncset.done $0x0  }
0x1bf: {  	[sflag:s9] =	ssyncadd.s32 $0xFFFFC000  }
0x1c0: {  	[spmem:s2] =	stream.indirect.scatter.add.f32 [tilespmem:s8], [sflag:$0x2], $0x80, s14, s7, $0xb8;
	[tilespmem:$0x9000] =	vst v63  }
0x1c1: {  	_ =	swait.ge [sflag:s6], $0x4000  }
0x1c2: {  	[sflag:s6] =	ssyncset.done $0x0  }
0x1c3: {  	[sflag:s6] =	ssyncadd.s32 $0xFFFFC000  }
0x1c4: {  	[tilespmem:s8], [sflag:$0x1] =	stream.indirect.gather [hbm4b:s3+s7], $0x80, s13, s7, $0xb8;
	[tilespmem:$0x9000] =	vst v63  }
0x1c5: {  	_ =	swait.ge [sflag:s9], $0x4000  }
0x1c6: {  	[sflag:s9] =	ssyncset.done $0x0  }
0x1c7: {  	[sflag:s9] =	ssyncadd.s32 $0xFFFFC000  }
0x1c8: {  	[spmem:s2] =	stream.indirect.scatter.add.f32 [tilespmem:s8], [sflag:$0x2], $0x80, s12, s7, $0xb8;
	[tilespmem:$0x9000] =	vst v63  }
0x1c9: {  	_ =	swait.ge [sflag:s6], $0x4000  }
0x1ca: {  	[sflag:s6] =	ssyncset.done $0x0  }
0x1cb: {  	[sflag:s6] =	ssyncadd.s32 $0xFFFFC000  }
0x1cc: {  	[tilespmem:s8], [sflag:$0x1] =	stream.indirect.gather [hbm4b:s3+s7], $0x80, s11, s7, $0xb8;
	[tilespmem:$0x9000] =	vst v63  }
0x1cd: {  	_ =	swait.ge [sflag:s9], $0x4000  }
0x1ce: {  	[sflag:s9] =	ssyncset.done $0x0  }
0x1cf: {  	[sflag:s9] =	ssyncadd.s32 $0xFFFFC000  }
0x1d0: {  	[spmem:s2] =	stream.indirect.scatter.add.f32 [tilespmem:s8], [sflag:$0x2], $0x80, s10, s7, $0xb8;
	[tilespmem:$0x9000] =	vst v63  }
0x1d1: {  	_ =	swait.ge [sflag:s6], $0x4000  }
0x1d2: {  	[sflag:s6] =	ssyncset.done $0x0  }
0x1d3: {  	[sflag:s6] =	ssyncadd.s32 $0xFFFFC000  }
0x1d4: {  	[bflag:$0x0] =	sbarrier.arrive $0xFFFF  }
0x1d5: {  	s30 =	rddreg [dreg:$0x6]  }
0x1d6: {  	[hbm:s30], [sflag:s4] =	dma.local [spmem:s5], $0x800  }
0x1d7: {  	_ =	swait.ge [sflag:s6], $0x800  }
0x1d8: {  	[sflag:s6] =	ssyncset.done $0x0  }
0x1d9: {  	[sflag:s6] =	ssyncadd.s32 $0xFFFFF800  }
0x1da: {  	_ =	sfence.sel $0x180000  }
0x1db: {  	[bflag:$0x0] =	sbarrier.arrive $0xFFFF  }
0x1dc: {  	_ =	strace $0x90000047  }
0x1dd: {  	s31 =	stileid.u32;
	[bflag:$0x2] =	sbarrier.arrive $0xFFFF  }
0x1de: {  	p0 =	sne.s32 s31, $0x0;
	s0 =	rddreg [dreg:$0x2]  }
0x1df: {  	s0 =	sadd.s32 @!p0 $0x100000, s0  }
0x1e0: {  	[sflag:s0] =	ssyncadd.tile.s32 @!p0 $0x1;
	_ =	shalt  }
.Lfunc_end2:
_tile_overlayer_lowered:
.L_overlay_start_2:
0x1e1: {  	(tag) =	ssettag $0x2  }
0x1e2: {  	s0 =	rddreg [dreg:$0x0];
	s2 =	stileid.u32  }
0x1e3: {  	s1 =	rddreg [dreg:$0x1];
	p0 =	sne.s32 s2, $0x0  }
0x1e4: {  	s3 =	rddreg [dreg:$0x2];
	[bflag:$0x3] =	sbarrier.arrive $0xFFFF;
	s2 =	simm.s32 @!p0 $0x1C02  }
0x1e5: {  	[timem:s3], [sflag:s2] =	dma.local @!p0 [hbm:s0], s1  }
0x1e6: {  	s0 =	simm.s32 @!p0 $0x2  }
0x1e7: {  	_ =	swait.ge @!p0 [sflag:s0], s1  }
0x1e8: {  	s1 =	ssub.s32 @!p0 $0x0, s1;
	[sflag:s0] =	ssyncset.done @!p0 $0x0  }
0x1e9: {  	[sflag:s0] =	ssyncadd.s32 @!p0 s1  }
0x1ea: {  	[bflag:$0x3] =	sbarrier.arrive $0xFFFF  }
0x1eb: {  	_ =	shalt  }

</sc_bundles>
